<compile_context>
chip_gen: v7x
topology: tpu7x:2x2x1
jax: 0.10.2.dev20260603
libtpu: 0.0.44.dev20260713+nightly
codegen_flags: <defaults>
</compile_context>

<pallas_src>
import functools

import jax
import jax.numpy as jnp
from jax import lax
from jax.experimental import pallas as pl
from jax.experimental.pallas import tpu as pltpu
from jax.experimental.pallas import tpu_sc as plsc

N = 10000
E = 320000
D = 128
G = 128

NC = 2
NS = 16
NW = NC * NS
CH = 80
NCH = 125
EPW = NCH * CH
EPAD = NW * EPW
ZROW = N
RPT = 624
RPT_LAST = N - 15 * RPT

_sc_mesh = plsc.VectorSubcoreMesh(core_axis_name="c", subcore_axis_name="s")


@functools.partial(
    pl.kernel,
    out_type=(
        jax.ShapeDtypeStruct((N, D), jnp.float32),
        jax.ShapeDtypeStruct((N, D), jnp.float32),
    ),
    mesh=_sc_mesh,
    scratch_types=[
        pltpu.VMEM_SHARED((N, D), jnp.float32),
        pltpu.VMEM((NCH, CH), jnp.int32),
        pltpu.VMEM((NCH, CH), jnp.int32),
        pltpu.VMEM((CH, D), jnp.float32),
    ],
)
def _sc_agg(x_hbm, src_hbm, dst_hbm, out0, out1, agg_sh, di, si, r0):
    c = lax.axis_index("c")
    s = lax.axis_index("s")
    wid = c * NS + s

    def zrow(i, carry):
        r0[i, pl.ds(0, 16)] = jnp.zeros((16,), jnp.float32)
        r0[i, pl.ds(16, 16)] = jnp.zeros((16,), jnp.float32)
        r0[i, pl.ds(32, 16)] = jnp.zeros((16,), jnp.float32)
        r0[i, pl.ds(48, 16)] = jnp.zeros((16,), jnp.float32)
        r0[i, pl.ds(64, 16)] = jnp.zeros((16,), jnp.float32)
        r0[i, pl.ds(80, 16)] = jnp.zeros((16,), jnp.float32)
        r0[i, pl.ds(96, 16)] = jnp.zeros((16,), jnp.float32)
        r0[i, pl.ds(112, 16)] = jnp.zeros((16,), jnp.float32)
        return carry

    lax.fori_loop(0, CH, zrow, 0)
    row0 = pl.multiple_of(s * RPT, 8)

    @pl.when(s < NS - 1)
    def _():
        for k in range(RPT // CH):
            pltpu.sync_copy(r0, agg_sh.at[pl.ds(row0 + k * CH, CH)])
        if RPT % CH:
            pltpu.sync_copy(r0.at[pl.ds(0, RPT % CH)],
                            agg_sh.at[pl.ds(row0 + RPT - RPT % CH, RPT % CH)])

    @pl.when(s == NS - 1)
    def _():
        for k in range(RPT_LAST // CH):
            pltpu.sync_copy(r0, agg_sh.at[pl.ds(15 * RPT + k * CH, CH)])
        if RPT_LAST % CH:
            pltpu.sync_copy(
                r0.at[pl.ds(0, RPT_LAST % CH)],
                agg_sh.at[pl.ds(15 * RPT + RPT_LAST - RPT_LAST % CH,
                                RPT_LAST % CH)])

    plsc.subcore_barrier()

    pltpu.sync_copy(dst_hbm.at[wid], di)
    pltpu.sync_copy(src_hbm.at[wid], si)

    def body(ci, carry):
        pltpu.sync_copy(x_hbm.at[si.at[ci]], r0)
        pltpu.sync_copy(r0, agg_sh.at[di.at[ci]], add=True)
        return carry

    lax.fori_loop(0, NCH, body, 0)
    plsc.subcore_barrier()

    @pl.when((c == 0) & (s < NS - 1))
    def _():
        pltpu.sync_copy(agg_sh.at[pl.ds(row0, RPT)], out0.at[pl.ds(row0, RPT)])

    @pl.when((c == 0) & (s == NS - 1))
    def _():
        pltpu.sync_copy(agg_sh.at[pl.ds(15 * RPT, RPT_LAST)],
                        out0.at[pl.ds(15 * RPT, RPT_LAST)])

    @pl.when((c == 1) & (s < NS - 1))
    def _():
        pltpu.sync_copy(agg_sh.at[pl.ds(row0, RPT)], out1.at[pl.ds(row0, RPT)])

    @pl.when((c == 1) & (s == NS - 1))
    def _():
        pltpu.sync_copy(agg_sh.at[pl.ds(15 * RPT, RPT_LAST)],
                        out1.at[pl.ds(15 * RPT, RPT_LAST)])


BM = 2000
NBLK = N // BM


def _tc_body(x_ref, a0_ref, a1_ref, batch_ref, w_ref, b_ref, wr_ref, br_ref,
             out_ref, sums_ref, counts_ref):
    i = pl.program_id(0)

    @pl.when(i == 0)
    def _():
        sums_ref[...] = jnp.zeros_like(sums_ref)
        counts_ref[...] = jnp.zeros_like(counts_ref)

    t = x_ref[...] + a0_ref[...] + a1_ref[...]
    h = jnp.maximum(
        jnp.dot(t, w_ref[...], preferred_element_type=jnp.float32) + b_ref[...],
        0.0,
    )
    gids = lax.broadcasted_iota(jnp.int32, (1, G), 1)
    onehot = (batch_ref[...] == gids).astype(jnp.float32)
    sums_ref[...] += lax.dot_general(
        onehot, h, (((0,), (0,)), ((), ())),
        preferred_element_type=jnp.float32)
    counts_ref[...] += jnp.sum(onehot, axis=0, keepdims=True)

    @pl.when(i == NBLK - 1)
    def _():
        pool = sums_ref[...] / jnp.maximum(counts_ref[...], 1.0).T
        out_ref[...] = (
            jnp.dot(pool, wr_ref[...], preferred_element_type=jnp.float32)
            + br_ref[...]
        )


def kernel(x, edge_index, batch, W, b, Wr, br):
    src = edge_index[0].astype(jnp.int32)
    dst = edge_index[1].astype(jnp.int32)
    pad = EPAD - E
    src3 = jnp.concatenate([src, jnp.full((pad,), ZROW, jnp.int32)]).reshape(
        NW, NCH, CH)
    dst3 = jnp.concatenate([dst, jnp.zeros((pad,), jnp.int32)]).reshape(
        NW, NCH, CH)
    x_pad = jnp.concatenate([x, jnp.zeros((8, D), jnp.float32)])

    agg0, agg1 = _sc_agg(x_pad, src3, dst3)

    batch2d = batch.astype(jnp.int32).reshape(N, 1)
    b2d = b.reshape(1, D)
    br2d = br.reshape(1, 1)

    out = pl.pallas_call(
        _tc_body,
        grid=(NBLK,),
        in_specs=[
            pl.BlockSpec((BM, D), lambda i: (i, 0)),
            pl.BlockSpec((BM, D), lambda i: (i, 0)),
            pl.BlockSpec((BM, D), lambda i: (i, 0)),
            pl.BlockSpec((BM, 1), lambda i: (i, 0)),
            pl.BlockSpec((D, D), lambda i: (0, 0)),
            pl.BlockSpec((1, D), lambda i: (0, 0)),
            pl.BlockSpec((D, 1), lambda i: (0, 0)),
            pl.BlockSpec((1, 1), lambda i: (0, 0)),
        ],
        out_specs=pl.BlockSpec((G, 1), lambda i: (0, 0)),
        out_shape=jax.ShapeDtypeStruct((G, 1), jnp.float32),
        scratch_shapes=[
            pltpu.VMEM((G, D), jnp.float32),
            pltpu.VMEM((1, G), jnp.float32),
        ],
        compiler_params=pltpu.CompilerParams(
            dimension_semantics=("arbitrary",)),
    )(x, agg0, agg1, batch2d, W, b2d, Wr, br2d)

    return out.reshape(G)

# --- scband reference (transcript-rebuilt; emitter-appended) ---
"""Pipeline reference for scband-graph-regression-6064493822394 (READ-ONLY COPY).

The authoritative reference and input builder live on the scoring server;
editing this copy changes nothing except your own understanding.
"""

import jax, jax.numpy as jnp
import numpy as np

N = 10000
E = 320000
D = 128
G = 128

def setup_inputs(seed: int = 0) -> dict:
    key = jax.random.key(seed)
    ks = jax.random.split(key, 8)
    x = jax.random.normal(ks[0], (N, D), dtype=jnp.float32)
    edge_index = jax.random.randint(ks[1], (2, E), 0, N, dtype=jnp.int64)
    batch = jnp.sort(jax.random.randint(ks[2], (N,), 0, G, dtype=jnp.int64))
    # embedding_model params: single GIN-style layer, hidden_size=128
    W = jax.random.normal(ks[3], (D, D), dtype=jnp.float32) * 0.05
    b = jnp.zeros((D,), dtype=jnp.float32)
    # regressor: Linear(hidden_size, 1)
    Wr = jax.random.normal(ks[4], (D, 1), dtype=jnp.float32) * 0.05
    br = jnp.zeros((1,), dtype=jnp.float32)
    return {"x": x, "edge_index": edge_index, "batch": batch, "W": W, "b": b, "Wr": Wr, "br": br}

def reference(x, edge_index, batch, W, b, Wr, br):
    # embedding_model: GIN-style message passing, JK='last', num_layer=1
    src = edge_index[0]
    dst = edge_index[1]
    msgs = jnp.take(x, src, axis=0)                      # gather [E, D]
    agg = jax.ops.segment_sum(msgs, dst, num_segments=N)  # scatter-add [N, D]
    h = jax.nn.relu((x + agg) @ W + b)                   # node embeddings [N, D]
    # global_mean_pool over batch ids
    sums = jax.ops.segment_sum(h, batch, num_segments=G)                       # [G, D]
    counts = jax.ops.segment_sum(jnp.ones((N,), dtype=h.dtype), batch, num_segments=G)
    pool_x = sums / jnp.clip(counts, 1.0)[:, None]
    # regressor + squeeze
    out = (pool_x @ Wr + br).squeeze(-1)                 # [G]
    return out

if __name__ == "__main__":
    import jax
    _d = setup_inputs()
    print(jax.jit(kernel)(*tuple(_d.values())))

</pallas_src>

<mosaic_0001>
#map = affine_map<(d0, d1) -> (0, 0)>
#map1 = affine_map<(d0, d1) -> (0, 0, 0)>
module attributes {stable_mosaic.version = 14 : i64} {
  func.func @_sc_agg(%arg0: i32, %arg1: i32, %arg2: memref<10008x128xf32, #tpu.memory_space<hbm>>, %arg3: memref<32x125x80xi32, #tpu.memory_space<hbm>>, %arg4: memref<32x125x80xi32, #tpu.memory_space<hbm>>, %arg5: memref<10000x128xf32, #tpu.memory_space<hbm>>, %arg6: memref<10000x128xf32, #tpu.memory_space<hbm>>, %arg7: memref<10000x128xf32, #tpu.memory_space<vmem_shared>>, %arg8: memref<125x80xi32, #tpu.memory_space<vmem>>, %arg9: memref<125x80xi32, #tpu.memory_space<vmem>>, %arg10: memref<80x128xf32, #tpu.memory_space<vmem>>) attributes {dimension_semantics = [#tpu.dimension_semantics<core_parallel>, #tpu.dimension_semantics<subcore_parallel>], iteration_bounds = array<i64: 2, 16>, scalar_prefetch = 0 : i64, scratch_operands = 4 : i64, tpu.core_type = #tpu.core_type<sc_vector_subcore>, window_params = [{transform_indices = #map}, {transform_indices = #map1}, {transform_indices = #map1}, {transform_indices = #map}, {transform_indices = #map}]} {
    %mul3A = arith.constant 16 : i32
    %mul3A_0 = arith.muli %arg0, %mul3A : i32
    %add3A = arith.addi %mul3A_0, %arg1 : i32
    %scan3A = arith.constant 0 : i32
    %scan3A_1 = arith.constant 0 : i32
    %scan3A_2 = arith.constant 80 : i32
    %scan3A_3 = arith.addi %scan3A_1, %scan3A_2 : i32
    %scan3A_4 = arith.constant 1 : i32
    scf.for %scan3A_52 = %scan3A_1 to %scan3A_3 step %scan3A_4  : i32 {
      %broadcast_in_dim3A = arith.constant 0.000000e+00 : f32
      %broadcast_in_dim3A_53 = vector.broadcast %broadcast_in_dim3A : f32 to vector<16xf32>
      %swap3A = arith.index_cast %scan3A_52 : i32 to index
      %swap3A_54 = arith.constant 0 : index
      %swap3A_55 = tpu.vector_load %arg10[%swap3A, %swap3A_54] {strides = array<i32>} : memref<80x128xf32, #tpu.memory_space<vmem>>, vector<1x16xf32>,
      %swap3A_56 = vector.shape_cast %swap3A_55 : vector<1x16xf32> to vector<16xf32>
      %swap3A_57 = vector.shape_cast %broadcast_in_dim3A_53 : vector<16xf32> to vector<1x16xf32>
      tpu.vector_store %arg10[%swap3A, %swap3A_54], %swap3A_57 {strides = array<i32>} : memref<80x128xf32, #tpu.memory_space<vmem>>, vector<1x16xf32>,
      %broadcast_in_dim3A_58 = arith.constant 0.000000e+00 : f32
      %broadcast_in_dim3A_59 = vector.broadcast %broadcast_in_dim3A_58 : f32 to vector<16xf32>
      %swap3A_60 = arith.index_cast %scan3A_52 : i32 to index
      %swap3A_61 = arith.constant 16 : index
      %swap3A_62 = tpu.vector_load %arg10[%swap3A_60, %swap3A_61] {strides = array<i32>} : memref<80x128xf32, #tpu.memory_space<vmem>>, vector<1x16xf32>,
      %swap3A_63 = vector.shape_cast %swap3A_62 : vector<1x16xf32> to vector<16xf32>
      %swap3A_64 = vector.shape_cast %broadcast_in_dim3A_59 : vector<16xf32> to vector<1x16xf32>
      tpu.vector_store %arg10[%swap3A_60, %swap3A_61], %swap3A_64 {strides = array<i32>} : memref<80x128xf32, #tpu.memory_space<vmem>>, vector<1x16xf32>,
      %broadcast_in_dim3A_65 = arith.constant 0.000000e+00 : f32
      %broadcast_in_dim3A_66 = vector.broadcast %broadcast_in_dim3A_65 : f32 to vector<16xf32>
      %swap3A_67 = arith.index_cast %scan3A_52 : i32 to index
      %swap3A_68 = arith.constant 32 : index
      %swap3A_69 = tpu.vector_load %arg10[%swap3A_67, %swap3A_68] {strides = array<i32>} : memref<80x128xf32, #tpu.memory_space<vmem>>, vector<1x16xf32>,
      %swap3A_70 = vector.shape_cast %swap3A_69 : vector<1x16xf32> to vector<16xf32>
      %swap3A_71 = vector.shape_cast %broadcast_in_dim3A_66 : vector<16xf32> to vector<1x16xf32>
      tpu.vector_store %arg10[%swap3A_67, %swap3A_68], %swap3A_71 {strides = array<i32>} : memref<80x128xf32, #tpu.memory_space<vmem>>, vector<1x16xf32>,
      %broadcast_in_dim3A_72 = arith.constant 0.000000e+00 : f32
      %broadcast_in_dim3A_73 = vector.broadcast %broadcast_in_dim3A_72 : f32 to vector<16xf32>
      %swap3A_74 = arith.index_cast %scan3A_52 : i32 to index
      %swap3A_75 = arith.constant 48 : index
      %swap3A_76 = tpu.vector_load %arg10[%swap3A_74, %swap3A_75] {strides = array<i32>} : memref<80x128xf32, #tpu.memory_space<vmem>>, vector<1x16xf32>,
      %swap3A_77 = vector.shape_cast %swap3A_76 : vector<1x16xf32> to vector<16xf32>
      %swap3A_78 = vector.shape_cast %broadcast_in_dim3A_73 : vector<16xf32> to vector<1x16xf32>
      tpu.vector_store %arg10[%swap3A_74, %swap3A_75], %swap3A_78 {strides = array<i32>} : memref<80x128xf32, #tpu.memory_space<vmem>>, vector<1x16xf32>,
      %broadcast_in_dim3A_79 = arith.constant 0.000000e+00 : f32
      %broadcast_in_dim3A_80 = vector.broadcast %broadcast_in_dim3A_79 : f32 to vector<16xf32>
      %swap3A_81 = arith.index_cast %scan3A_52 : i32 to index
      %swap3A_82 = arith.constant 64 : index
      %swap3A_83 = tpu.vector_load %arg10[%swap3A_81, %swap3A_82] {strides = array<i32>} : memref<80x128xf32, #tpu.memory_space<vmem>>, vector<1x16xf32>,
      %swap3A_84 = vector.shape_cast %swap3A_83 : vector<1x16xf32> to vector<16xf32>
      %swap3A_85 = vector.shape_cast %broadcast_in_dim3A_80 : vector<16xf32> to vector<1x16xf32>
      tpu.vector_store %arg10[%swap3A_81, %swap3A_82], %swap3A_85 {strides = array<i32>} : memref<80x128xf32, #tpu.memory_space<vmem>>, vector<1x16xf32>,
      %broadcast_in_dim3A_86 = arith.constant 0.000000e+00 : f32
      %broadcast_in_dim3A_87 = vector.broadcast %broadcast_in_dim3A_86 : f32 to vector<16xf32>
      %swap3A_88 = arith.index_cast %scan3A_52 : i32 to index
      %swap3A_89 = arith.constant 80 : index
      %swap3A_90 = tpu.vector_load %arg10[%swap3A_88, %swap3A_89] {strides = array<i32>} : memref<80x128xf32, #tpu.memory_space<vmem>>, vector<1x16xf32>,
      %swap3A_91 = vector.shape_cast %swap3A_90 : vector<1x16xf32> to vector<16xf32>
      %swap3A_92 = vector.shape_cast %broadcast_in_dim3A_87 : vector<16xf32> to vector<1x16xf32>
      tpu.vector_store %arg10[%swap3A_88, %swap3A_89], %swap3A_92 {strides = array<i32>} : memref<80x128xf32, #tpu.memory_space<vmem>>, vector<1x16xf32>,
      %broadcast_in_dim3A_93 = arith.constant 0.000000e+00 : f32
      %broadcast_in_dim3A_94 = vector.broadcast %broadcast_in_dim3A_93 : f32 to vector<16xf32>
      %swap3A_95 = arith.index_cast %scan3A_52 : i32 to index
      %swap3A_96 = arith.constant 96 : index
      %swap3A_97 = tpu.vector_load %arg10[%swap3A_95, %swap3A_96] {strides = array<i32>} : memref<80x128xf32, #tpu.memory_space<vmem>>, vector<1x16xf32>,
      %swap3A_98 = vector.shape_cast %swap3A_97 : vector<1x16xf32> to vector<16xf32>
      %swap3A_99 = vector.shape_cast %broadcast_in_dim3A_94 : vector<16xf32> to vector<1x16xf32>
      tpu.vector_store %arg10[%swap3A_95, %swap3A_96], %swap3A_99 {strides = array<i32>} : memref<80x128xf32, #tpu.memory_space<vmem>>, vector<1x16xf32>,
      %broadcast_in_dim3A_100 = arith.constant 0.000000e+00 : f32
      %broadcast_in_dim3A_101 = vector.broadcast %broadcast_in_dim3A_100 : f32 to vector<16xf32>
      %swap3A_102 = arith.index_cast %scan3A_52 : i32 to index
      %swap3A_103 = arith.constant 112 : index
      %swap3A_104 = tpu.vector_load %arg10[%swap3A_102, %swap3A_103] {strides = array<i32>} : memref<80x128xf32, #tpu.memory_space<vmem>>, vector<1x16xf32>,
      %swap3A_105 = vector.shape_cast %swap3A_104 : vector<1x16xf32> to vector<16xf32>
      %swap3A_106 = vector.shape_cast %broadcast_in_dim3A_101 : vector<16xf32> to vector<1x16xf32>
      tpu.vector_store %arg10[%swap3A_102, %swap3A_103], %swap3A_106 {strides = array<i32>} : memref<80x128xf32, #tpu.memory_space<vmem>>, vector<1x16xf32>,
    }
    %scan3A_5 = arith.constant 80 : i32
    %mul3A_6 = arith.constant 624 : i32
    %mul3A_7 = arith.muli %arg1, %mul3A_6 : i32
    %multiple_of3A = tpu.assume_multiple %mul3A_7, 8 : i32
    %lt3A = arith.constant 15 : i32
    %lt3A_8 = arith.cmpi slt, %arg1, %lt3A : i32
    %convert_element_type3A = arith.extui %lt3A_8 : i1 to i32
    %cond3A = arith.constant 0 : i32
    %cond3A_9 = arith.cmpi ne, %convert_element_type3A, %cond3A : i32
    scf.if %cond3A_9 {
      %add3A_52 = arith.constant 0 : i32
      %add3A_53 = arith.addi %multiple_of3A, %add3A_52 : i32
      "tpu.region"() ({
        %run_scoped3A = tpu.sem_alloc : memref<!tpu.dma_semaphore, #tpu.memory_space<semaphore_mem>>
        %dma_start3A = arith.constant 0 : i32
        %dma_start3A_69 = tpu.memref_slice %arg7[%add3A_53, %dma_start3A] : memref<10000x128xf32, #tpu.memory_space<vmem_shared>> -> memref<80x128xf32, #tpu.memory_space<vmem_shared>>
        %dma_start3A_70 = arith.constant 0 : i32
        %dma_start3A_71 = tpu.memref_slice %arg7[%add3A_53, %dma_start3A_70] : memref<10000x128xf32, #tpu.memory_space<vmem_shared>> -> memref<80x128xf32, #tpu.memory_space<vmem_shared>>
        tpu.enqueue_dma source(%arg10 : memref<80x128xf32, #tpu.memory_space<vmem>>) target(%dma_start3A_71 : memref<80x128xf32, #tpu.memory_space<vmem_shared>>) target_semaphore(%run_scoped3A : memref<!tpu.dma_semaphore, #tpu.memory_space<semaphore_mem>>)
        %dma_wait3A = arith.constant 0 : i32
        %dma_wait3A_72 = tpu.memref_slice %arg7[%add3A_53, %dma_wait3A] : memref<10000x128xf32, #tpu.memory_space<vmem_shared>> -> memref<80x128xf32, #tpu.memory_space<vmem_shared>>
        %dma_wait3A_73 = arith.constant 0 : i32
        %dma_wait3A_74 = tpu.memref_slice %arg7[%add3A_53, %dma_wait3A_73] : memref<10000x128xf32, #tpu.memory_space<vmem_shared>> -> memref<80x128xf32, #tpu.memory_space<vmem_shared>>
        tpu.wait_dma2 semaphore(%run_scoped3A : memref<!tpu.dma_semaphore, #tpu.memory_space<semaphore_mem>>) src(%arg10 : memref<80x128xf32, #tpu.memory_space<vmem>>) dst(%dma_wait3A_74 : memref<80x128xf32, #tpu.memory_space<vmem_shared>>)
        tpu.yield
      }) : () -> ()
      %add3A_54 = arith.constant 80 : i32
      %add3A_55 = arith.addi %multiple_of3A, %add3A_54 : i32
      "tpu.region"() ({
        %run_scoped3A = tpu.sem_alloc : memref<!tpu.dma_semaphore, #tpu.memory_space<semaphore_mem>>
        %dma_start3A = arith.constant 0 : i32
        %dma_start3A_69 = tpu.memref_slice %arg7[%add3A_55, %dma_start3A] : memref<10000x128xf32, #tpu.memory_space<vmem_shared>> -> memref<80x128xf32, #tpu.memory_space<vmem_shared>>
        %dma_start3A_70 = arith.constant 0 : i32
        %dma_start3A_71 = tpu.memref_slice %arg7[%add3A_55, %dma_start3A_70] : memref<10000x128xf32, #tpu.memory_space<vmem_shared>> -> memref<80x128xf32, #tpu.memory_space<vmem_shared>>
        tpu.enqueue_dma source(%arg10 : memref<80x128xf32, #tpu.memory_space<vmem>>) target(%dma_start3A_71 : memref<80x128xf32, #tpu.memory_space<vmem_shared>>) target_semaphore(%run_scoped3A : memref<!tpu.dma_semaphore, #tpu.memory_space<semaphore_mem>>)
        %dma_wait3A = arith.constant 0 : i32
        %dma_wait3A_72 = tpu.memref_slice %arg7[%add3A_55, %dma_wait3A] : memref<10000x128xf32, #tpu.memory_space<vmem_shared>> -> memref<80x128xf32, #tpu.memory_space<vmem_shared>>
        %dma_wait3A_73 = arith.constant 0 : i32
        %dma_wait3A_74 = tpu.memref_slice %arg7[%add3A_55, %dma_wait3A_73] : memref<10000x128xf32, #tpu.memory_space<vmem_shared>> -> memref<80x128xf32, #tpu.memory_space<vmem_shared>>
        tpu.wait_dma2 semaphore(%run_scoped3A : memref<!tpu.dma_semaphore, #tpu.memory_space<semaphore_mem>>) src(%arg10 : memref<80x128xf32, #tpu.memory_space<vmem>>) dst(%dma_wait3A_74 : memref<80x128xf32, #tpu.memory_space<vmem_shared>>)
        tpu.yield
      }) : () -> ()
      %add3A_56 = arith.constant 160 : i32
      %add3A_57 = arith.addi %multiple_of3A, %add3A_56 : i32
      "tpu.region"() ({
        %run_scoped3A = tpu.sem_alloc : memref<!tpu.dma_semaphore, #tpu.memory_space<semaphore_mem>>
        %dma_start3A = arith.constant 0 : i32
        %dma_start3A_69 = tpu.memref_slice %arg7[%add3A_57, %dma_start3A] : memref<10000x128xf32, #tpu.memory_space<vmem_shared>> -> memref<80x128xf32, #tpu.memory_space<vmem_shared>>
        %dma_start3A_70 = arith.constant 0 : i32
        %dma_start3A_71 = tpu.memref_slice %arg7[%add3A_57, %dma_start3A_70] : memref<10000x128xf32, #tpu.memory_space<vmem_shared>> -> memref<80x128xf32, #tpu.memory_space<vmem_shared>>
        tpu.enqueue_dma source(%arg10 : memref<80x128xf32, #tpu.memory_space<vmem>>) target(%dma_start3A_71 : memref<80x128xf32, #tpu.memory_space<vmem_shared>>) target_semaphore(%run_scoped3A : memref<!tpu.dma_semaphore, #tpu.memory_space<semaphore_mem>>)
        %dma_wait3A = arith.constant 0 : i32
        %dma_wait3A_72 = tpu.memref_slice %arg7[%add3A_57, %dma_wait3A] : memref<10000x128xf32, #tpu.memory_space<vmem_shared>> -> memref<80x128xf32, #tpu.memory_space<vmem_shared>>
        %dma_wait3A_73 = arith.constant 0 : i32
        %dma_wait3A_74 = tpu.memref_slice %arg7[%add3A_57, %dma_wait3A_73] : memref<10000x128xf32, #tpu.memory_space<vmem_shared>> -> memref<80x128xf32, #tpu.memory_space<vmem_shared>>
        tpu.wait_dma2 semaphore(%run_scoped3A : memref<!tpu.dma_semaphore, #tpu.memory_space<semaphore_mem>>) src(%arg10 : memref<80x128xf32, #tpu.memory_space<vmem>>) dst(%dma_wait3A_74 : memref<80x128xf32, #tpu.memory_space<vmem_shared>>)
        tpu.yield
      }) : () -> ()
      %add3A_58 = arith.constant 240 : i32
      %add3A_59 = arith.addi %multiple_of3A, %add3A_58 : i32
      "tpu.region"() ({
        %run_scoped3A = tpu.sem_alloc : memref<!tpu.dma_semaphore, #tpu.memory_space<semaphore_mem>>
        %dma_start3A = arith.constant 0 : i32
        %dma_start3A_69 = tpu.memref_slice %arg7[%add3A_59, %dma_start3A] : memref<10000x128xf32, #tpu.memory_space<vmem_shared>> -> memref<80x128xf32, #tpu.memory_space<vmem_shared>>
        %dma_start3A_70 = arith.constant 0 : i32
        %dma_start3A_71 = tpu.memref_slice %arg7[%add3A_59, %dma_start3A_70] : memref<10000x128xf32, #tpu.memory_space<vmem_shared>> -> memref<80x128xf32, #tpu.memory_space<vmem_shared>>
        tpu.enqueue_dma source(%arg10 : memref<80x128xf32, #tpu.memory_space<vmem>>) target(%dma_start3A_71 : memref<80x128xf32, #tpu.memory_space<vmem_shared>>) target_semaphore(%run_scoped3A : memref<!tpu.dma_semaphore, #tpu.memory_space<semaphore_mem>>)
        %dma_wait3A = arith.constant 0 : i32
        %dma_wait3A_72 = tpu.memref_slice %arg7[%add3A_59, %dma_wait3A] : memref<10000x128xf32, #tpu.memory_space<vmem_shared>> -> memref<80x128xf32, #tpu.memory_space<vmem_shared>>
        %dma_wait3A_73 = arith.constant 0 : i32
        %dma_wait3A_74 = tpu.memref_slice %arg7[%add3A_59, %dma_wait3A_73] : memref<10000x128xf32, #tpu.memory_space<vmem_shared>> -> memref<80x128xf32, #tpu.memory_space<vmem_shared>>
        tpu.wait_dma2 semaphore(%run_scoped3A : memref<!tpu.dma_semaphore, #tpu.memory_space<semaphore_mem>>) src(%arg10 : memref<80x128xf32, #tpu.memory_space<vmem>>) dst(%dma_wait3A_74 : memref<80x128xf32, #tpu.memory_space<vmem_shared>>)
        tpu.yield
      }) : () -> ()
      %add3A_60 = arith.constant 320 : i32
      %add3A_61 = arith.addi %multiple_of3A, %add3A_60 : i32
      "tpu.region"() ({
        %run_scoped3A = tpu.sem_alloc : memref<!tpu.dma_semaphore, #tpu.memory_space<semaphore_mem>>
        %dma_start3A = arith.constant 0 : i32
        %dma_start3A_69 = tpu.memref_slice %arg7[%add3A_61, %dma_start3A] : memref<10000x128xf32, #tpu.memory_space<vmem_shared>> -> memref<80x128xf32, #tpu.memory_space<vmem_shared>>
        %dma_start3A_70 = arith.constant 0 : i32
        %dma_start3A_71 = tpu.memref_slice %arg7[%add3A_61, %dma_start3A_70] : memref<10000x128xf32, #tpu.memory_space<vmem_shared>> -> memref<80x128xf32, #tpu.memory_space<vmem_shared>>
        tpu.enqueue_dma source(%arg10 : memref<80x128xf32, #tpu.memory_space<vmem>>) target(%dma_start3A_71 : memref<80x128xf32, #tpu.memory_space<vmem_shared>>) target_semaphore(%run_scoped3A : memref<!tpu.dma_semaphore, #tpu.memory_space<semaphore_mem>>)
        %dma_wait3A = arith.constant 0 : i32
        %dma_wait3A_72 = tpu.memref_slice %arg7[%add3A_61, %dma_wait3A] : memref<10000x128xf32, #tpu.memory_space<vmem_shared>> -> memref<80x128xf32, #tpu.memory_space<vmem_shared>>
        %dma_wait3A_73 = arith.constant 0 : i32
        %dma_wait3A_74 = tpu.memref_slice %arg7[%add3A_61, %dma_wait3A_73] : memref<10000x128xf32, #tpu.memory_space<vmem_shared>> -> memref<80x128xf32, #tpu.memory_space<vmem_shared>>
        tpu.wait_dma2 semaphore(%run_scoped3A : memref<!tpu.dma_semaphore, #tpu.memory_space<semaphore_mem>>) src(%arg10 : memref<80x128xf32, #tpu.memory_space<vmem>>) dst(%dma_wait3A_74 : memref<80x128xf32, #tpu.memory_space<vmem_shared>>)
        tpu.yield
      }) : () -> ()
      %add3A_62 = arith.constant 400 : i32
      %add3A_63 = arith.addi %multiple_of3A, %add3A_62 : i32
      "tpu.region"() ({
        %run_scoped3A = tpu.sem_alloc : memref<!tpu.dma_semaphore, #tpu.memory_space<semaphore_mem>>
        %dma_start3A = arith.constant 0 : i32
        %dma_start3A_69 = tpu.memref_slice %arg7[%add3A_63, %dma_start3A] : memref<10000x128xf32, #tpu.memory_space<vmem_shared>> -> memref<80x128xf32, #tpu.memory_space<vmem_shared>>
        %dma_start3A_70 = arith.constant 0 : i32
        %dma_start3A_71 = tpu.memref_slice %arg7[%add3A_63, %dma_start3A_70] : memref<10000x128xf32, #tpu.memory_space<vmem_shared>> -> memref<80x128xf32, #tpu.memory_space<vmem_shared>>
        tpu.enqueue_dma source(%arg10 : memref<80x128xf32, #tpu.memory_space<vmem>>) target(%dma_start3A_71 : memref<80x128xf32, #tpu.memory_space<vmem_shared>>) target_semaphore(%run_scoped3A : memref<!tpu.dma_semaphore, #tpu.memory_space<semaphore_mem>>)
        %dma_wait3A = arith.constant 0 : i32
        %dma_wait3A_72 = tpu.memref_slice %arg7[%add3A_63, %dma_wait3A] : memref<10000x128xf32, #tpu.memory_space<vmem_shared>> -> memref<80x128xf32, #tpu.memory_space<vmem_shared>>
        %dma_wait3A_73 = arith.constant 0 : i32
        %dma_wait3A_74 = tpu.memref_slice %arg7[%add3A_63, %dma_wait3A_73] : memref<10000x128xf32, #tpu.memory_space<vmem_shared>> -> memref<80x128xf32, #tpu.memory_space<vmem_shared>>
        tpu.wait_dma2 semaphore(%run_scoped3A : memref<!tpu.dma_semaphore, #tpu.memory_space<semaphore_mem>>) src(%arg10 : memref<80x128xf32, #tpu.memory_space<vmem>>) dst(%dma_wait3A_74 : memref<80x128xf32, #tpu.memory_space<vmem_shared>>)
        tpu.yield
      }) : () -> ()
      %add3A_64 = arith.constant 480 : i32
      %add3A_65 = arith.addi %multiple_of3A, %add3A_64 : i32
      "tpu.region"() ({
        %run_scoped3A = tpu.sem_alloc : memref<!tpu.dma_semaphore, #tpu.memory_space<semaphore_mem>>
        %dma_start3A = arith.constant 0 : i32
        %dma_start3A_69 = tpu.memref_slice %arg7[%add3A_65, %dma_start3A] : memref<10000x128xf32, #tpu.memory_space<vmem_shared>> -> memref<80x128xf32, #tpu.memory_space<vmem_shared>>
        %dma_start3A_70 = arith.constant 0 : i32
        %dma_start3A_71 = tpu.memref_slice %arg7[%add3A_65, %dma_start3A_70] : memref<10000x128xf32, #tpu.memory_space<vmem_shared>> -> memref<80x128xf32, #tpu.memory_space<vmem_shared>>
        tpu.enqueue_dma source(%arg10 : memref<80x128xf32, #tpu.memory_space<vmem>>) target(%dma_start3A_71 : memref<80x128xf32, #tpu.memory_space<vmem_shared>>) target_semaphore(%run_scoped3A : memref<!tpu.dma_semaphore, #tpu.memory_space<semaphore_mem>>)
        %dma_wait3A = arith.constant 0 : i32
        %dma_wait3A_72 = tpu.memref_slice %arg7[%add3A_65, %dma_wait3A] : memref<10000x128xf32, #tpu.memory_space<vmem_shared>> -> memref<80x128xf32, #tpu.memory_space<vmem_shared>>
        %dma_wait3A_73 = arith.constant 0 : i32
        %dma_wait3A_74 = tpu.memref_slice %arg7[%add3A_65, %dma_wait3A_73] : memref<10000x128xf32, #tpu.memory_space<vmem_shared>> -> memref<80x128xf32, #tpu.memory_space<vmem_shared>>
        tpu.wait_dma2 semaphore(%run_scoped3A : memref<!tpu.dma_semaphore, #tpu.memory_space<semaphore_mem>>) src(%arg10 : memref<80x128xf32, #tpu.memory_space<vmem>>) dst(%dma_wait3A_74 : memref<80x128xf32, #tpu.memory_space<vmem_shared>>)
        tpu.yield
      }) : () -> ()
      %add3A_66 = arith.constant 624 : i32
      %add3A_67 = arith.addi %multiple_of3A, %add3A_66 : i32
      %sub3A = arith.constant 64 : i32
      %sub3A_68 = arith.subi %add3A_67, %sub3A : i32
      "tpu.region"() ({
        %run_scoped3A = tpu.sem_alloc : memref<!tpu.dma_semaphore, #tpu.memory_space<semaphore_mem>>
        %dma_start3A = arith.constant 0 : i32
        %dma_start3A_69 = arith.constant 0 : i32
        %dma_start3A_70 = tpu.memref_slice %arg10[%dma_start3A, %dma_start3A_69] : memref<80x128xf32, #tpu.memory_space<vmem>> -> memref<64x128xf32, #tpu.memory_space<vmem>>
        %dma_start3A_71 = arith.constant 0 : i32
        %dma_start3A_72 = tpu.memref_slice %arg7[%sub3A_68, %dma_start3A_71] : memref<10000x128xf32, #tpu.memory_space<vmem_shared>> -> memref<64x128xf32, #tpu.memory_space<vmem_shared>>
        %dma_start3A_73 = arith.constant 0 : i32
        %dma_start3A_74 = tpu.memref_slice %arg7[%sub3A_68, %dma_start3A_73] : memref<10000x128xf32, #tpu.memory_space<vmem_shared>> -> memref<64x128xf32, #tpu.memory_space<vmem_shared>>
        %dma_start3A_75 = arith.constant 0 : i32
        %dma_start3A_76 = arith.constant 0 : i32
        %dma_start3A_77 = tpu.memref_slice %arg10[%dma_start3A_75, %dma_start3A_76] : memref<80x128xf32, #tpu.memory_space<vmem>> -> memref<64x128xf32, #tpu.memory_space<vmem>>
        tpu.enqueue_dma source(%dma_start3A_77 : memref<64x128xf32, #tpu.memory_space<vmem>>) target(%dma_start3A_74 : memref<64x128xf32, #tpu.memory_space<vmem_shared>>) target_semaphore(%run_scoped3A : memref<!tpu.dma_semaphore, #tpu.memory_space<semaphore_mem>>)
        %dma_wait3A = arith.constant 0 : i32
        %dma_wait3A_78 = arith.constant 0 : i32
        %dma_wait3A_79 = tpu.memref_slice %arg10[%dma_wait3A, %dma_wait3A_78] : memref<80x128xf32, #tpu.memory_space<vmem>> -> memref<64x128xf32, #tpu.memory_space<vmem>>
        %dma_wait3A_80 = arith.constant 0 : i32
        %dma_wait3A_81 = tpu.memref_slice %arg7[%sub3A_68, %dma_wait3A_80] : memref<10000x128xf32, #tpu.memory_space<vmem_shared>> -> memref<64x128xf32, #tpu.memory_space<vmem_shared>>
        %dma_wait3A_82 = arith.constant 0 : i32
        %dma_wait3A_83 = tpu.memref_slice %arg7[%sub3A_68, %dma_wait3A_82] : memref<10000x128xf32, #tpu.memory_space<vmem_shared>> -> memref<64x128xf32, #tpu.memory_space<vmem_shared>>
        %dma_wait3A_84 = arith.constant 0 : i32
        %dma_wait3A_85 = arith.constant 0 : i32
        %dma_wait3A_86 = tpu.memref_slice %arg10[%dma_wait3A_84, %dma_wait3A_85] : memref<80x128xf32, #tpu.memory_space<vmem>> -> memref<64x128xf32, #tpu.memory_space<vmem>>
        tpu.wait_dma2 semaphore(%run_scoped3A : memref<!tpu.dma_semaphore, #tpu.memory_space<semaphore_mem>>) src(%dma_wait3A_86 : memref<64x128xf32, #tpu.memory_space<vmem>>) dst(%dma_wait3A_83 : memref<64x128xf32, #tpu.memory_space<vmem_shared>>)
        tpu.yield
      }) : () -> ()
    } else {
    }
    %eq3A = arith.constant 15 : i32
    %eq3A_10 = arith.cmpi eq, %arg1, %eq3A : i32
    %convert_element_type3A_11 = arith.extui %eq3A_10 : i1 to i32
    %cond3A_12 = arith.constant 0 : i32
    %cond3A_13 = arith.cmpi ne, %convert_element_type3A_11, %cond3A_12 : i32
    scf.if %cond3A_13 {
      "tpu.region"() ({
        %run_scoped3A = tpu.sem_alloc : memref<!tpu.dma_semaphore, #tpu.memory_space<semaphore_mem>>
        %dma_start3A = arith.constant 9360 : i32
        %dma_start3A_52 = arith.constant 0 : i32
        %dma_start3A_53 = tpu.memref_slice %arg7[%dma_start3A, %dma_start3A_52] : memref<10000x128xf32, #tpu.memory_space<vmem_shared>> -> memref<80x128xf32, #tpu.memory_space<vmem_shared>>
        %dma_start3A_54 = arith.constant 9360 : i32
        %dma_start3A_55 = arith.constant 0 : i32
        %dma_start3A_56 = tpu.memref_slice %arg7[%dma_start3A_54, %dma_start3A_55] : memref<10000x128xf32, #tpu.memory_space<vmem_shared>> -> memref<80x128xf32, #tpu.memory_space<vmem_shared>>
        tpu.enqueue_dma source(%arg10 : memref<80x128xf32, #tpu.memory_space<vmem>>) target(%dma_start3A_56 : memref<80x128xf32, #tpu.memory_space<vmem_shared>>) target_semaphore(%run_scoped3A : memref<!tpu.dma_semaphore, #tpu.memory_space<semaphore_mem>>)
        %dma_wait3A = arith.constant 9360 : i32
        %dma_wait3A_57 = arith.constant 0 : i32
        %dma_wait3A_58 = tpu.memref_slice %arg7[%dma_wait3A, %dma_wait3A_57] : memref<10000x128xf32, #tpu.memory_space<vmem_shared>> -> memref<80x128xf32, #tpu.memory_space<vmem_shared>>
        %dma_wait3A_59 = arith.constant 9360 : i32
        %dma_wait3A_60 = arith.constant 0 : i32
        %dma_wait3A_61 = tpu.memref_slice %arg7[%dma_wait3A_59, %dma_wait3A_60] : memref<10000x128xf32, #tpu.memory_space<vmem_shared>> -> memref<80x128xf32, #tpu.memory_space<vmem_shared>>
        tpu.wait_dma2 semaphore(%run_scoped3A : memref<!tpu.dma_semaphore, #tpu.memory_space<semaphore_mem>>) src(%arg10 : memref<80x128xf32, #tpu.memory_space<vmem>>) dst(%dma_wait3A_61 : memref<80x128xf32, #tpu.memory_space<vmem_shared>>)
        tpu.yield
      }) : () -> ()
      "tpu.region"() ({
        %run_scoped3A = tpu.sem_alloc : memref<!tpu.dma_semaphore, #tpu.memory_space<semaphore_mem>>
        %dma_start3A = arith.constant 9440 : i32
        %dma_start3A_52 = arith.constant 0 : i32
        %dma_start3A_53 = tpu.memref_slice %arg7[%dma_start3A, %dma_start3A_52] : memref<10000x128xf32, #tpu.memory_space<vmem_shared>> -> memref<80x128xf32, #tpu.memory_space<vmem_shared>>
        %dma_start3A_54 = arith.constant 9440 : i32
        %dma_start3A_55 = arith.constant 0 : i32
        %dma_start3A_56 = tpu.memref_slice %arg7[%dma_start3A_54, %dma_start3A_55] : memref<10000x128xf32, #tpu.memory_space<vmem_shared>> -> memref<80x128xf32, #tpu.memory_space<vmem_shared>>
        tpu.enqueue_dma source(%arg10 : memref<80x128xf32, #tpu.memory_space<vmem>>) target(%dma_start3A_56 : memref<80x128xf32, #tpu.memory_space<vmem_shared>>) target_semaphore(%run_scoped3A : memref<!tpu.dma_semaphore, #tpu.memory_space<semaphore_mem>>)
        %dma_wait3A = arith.constant 9440 : i32
        %dma_wait3A_57 = arith.constant 0 : i32
        %dma_wait3A_58 = tpu.memref_slice %arg7[%dma_wait3A, %dma_wait3A_57] : memref<10000x128xf32, #tpu.memory_space<vmem_shared>> -> memref<80x128xf32, #tpu.memory_space<vmem_shared>>
        %dma_wait3A_59 = arith.constant 9440 : i32
        %dma_wait3A_60 = arith.constant 0 : i32
        %dma_wait3A_61 = tpu.memref_slice %arg7[%dma_wait3A_59, %dma_wait3A_60] : memref<10000x128xf32, #tpu.memory_space<vmem_shared>> -> memref<80x128xf32, #tpu.memory_space<vmem_shared>>
        tpu.wait_dma2 semaphore(%run_scoped3A : memref<!tpu.dma_semaphore, #tpu.memory_space<semaphore_mem>>) src(%arg10 : memref<80x128xf32, #tpu.memory_space<vmem>>) dst(%dma_wait3A_61 : memref<80x128xf32, #tpu.memory_space<vmem_shared>>)
        tpu.yield
      }) : () -> ()
      "tpu.region"() ({
        %run_scoped3A = tpu.sem_alloc : memref<!tpu.dma_semaphore, #tpu.memory_space<semaphore_mem>>
        %dma_start3A = arith.constant 9520 : i32
        %dma_start3A_52 = arith.constant 0 : i32
        %dma_start3A_53 = tpu.memref_slice %arg7[%dma_start3A, %dma_start3A_52] : memref<10000x128xf32, #tpu.memory_space<vmem_shared>> -> memref<80x128xf32, #tpu.memory_space<vmem_shared>>
        %dma_start3A_54 = arith.constant 9520 : i32
        %dma_start3A_55 = arith.constant 0 : i32
        %dma_start3A_56 = tpu.memref_slice %arg7[%dma_start3A_54, %dma_start3A_55] : memref<10000x128xf32, #tpu.memory_space<vmem_shared>> -> memref<80x128xf32, #tpu.memory_space<vmem_shared>>
        tpu.enqueue_dma source(%arg10 : memref<80x128xf32, #tpu.memory_space<vmem>>) target(%dma_start3A_56 : memref<80x128xf32, #tpu.memory_space<vmem_shared>>) target_semaphore(%run_scoped3A : memref<!tpu.dma_semaphore, #tpu.memory_space<semaphore_mem>>)
        %dma_wait3A = arith.constant 9520 : i32
        %dma_wait3A_57 = arith.constant 0 : i32
        %dma_wait3A_58 = tpu.memref_slice %arg7[%dma_wait3A, %dma_wait3A_57] : memref<10000x128xf32, #tpu.memory_space<vmem_shared>> -> memref<80x128xf32, #tpu.memory_space<vmem_shared>>
        %dma_wait3A_59 = arith.constant 9520 : i32
        %dma_wait3A_60 = arith.constant 0 : i32
        %dma_wait3A_61 = tpu.memref_slice %arg7[%dma_wait3A_59, %dma_wait3A_60] : memref<10000x128xf32, #tpu.memory_space<vmem_shared>> -> memref<80x128xf32, #tpu.memory_space<vmem_shared>>
        tpu.wait_dma2 semaphore(%run_scoped3A : memref<!tpu.dma_semaphore, #tpu.memory_space<semaphore_mem>>) src(%arg10 : memref<80x128xf32, #tpu.memory_space<vmem>>) dst(%dma_wait3A_61 : memref<80x128xf32, #tpu.memory_space<vmem_shared>>)
        tpu.yield
      }) : () -> ()
      "tpu.region"() ({
        %run_scoped3A = tpu.sem_alloc : memref<!tpu.dma_semaphore, #tpu.memory_space<semaphore_mem>>
        %dma_start3A = arith.constant 9600 : i32
        %dma_start3A_52 = arith.constant 0 : i32
        %dma_start3A_53 = tpu.memref_slice %arg7[%dma_start3A, %dma_start3A_52] : memref<10000x128xf32, #tpu.memory_space<vmem_shared>> -> memref<80x128xf32, #tpu.memory_space<vmem_shared>>
        %dma_start3A_54 = arith.constant 9600 : i32
        %dma_start3A_55 = arith.constant 0 : i32
        %dma_start3A_56 = tpu.memref_slice %arg7[%dma_start3A_54, %dma_start3A_55] : memref<10000x128xf32, #tpu.memory_space<vmem_shared>> -> memref<80x128xf32, #tpu.memory_space<vmem_shared>>
        tpu.enqueue_dma source(%arg10 : memref<80x128xf32, #tpu.memory_space<vmem>>) target(%dma_start3A_56 : memref<80x128xf32, #tpu.memory_space<vmem_shared>>) target_semaphore(%run_scoped3A : memref<!tpu.dma_semaphore, #tpu.memory_space<semaphore_mem>>)
        %dma_wait3A = arith.constant 9600 : i32
        %dma_wait3A_57 = arith.constant 0 : i32
        %dma_wait3A_58 = tpu.memref_slice %arg7[%dma_wait3A, %dma_wait3A_57] : memref<10000x128xf32, #tpu.memory_space<vmem_shared>> -> memref<80x128xf32, #tpu.memory_space<vmem_shared>>
        %dma_wait3A_59 = arith.constant 9600 : i32
        %dma_wait3A_60 = arith.constant 0 : i32
        %dma_wait3A_61 = tpu.memref_slice %arg7[%dma_wait3A_59, %dma_wait3A_60] : memref<10000x128xf32, #tpu.memory_space<vmem_shared>> -> memref<80x128xf32, #tpu.memory_space<vmem_shared>>
        tpu.wait_dma2 semaphore(%run_scoped3A : memref<!tpu.dma_semaphore, #tpu.memory_space<semaphore_mem>>) src(%arg10 : memref<80x128xf32, #tpu.memory_space<vmem>>) dst(%dma_wait3A_61 : memref<80x128xf32, #tpu.memory_space<vmem_shared>>)
        tpu.yield
      }) : () -> ()
      "tpu.region"() ({
        %run_scoped3A = tpu.sem_alloc : memref<!tpu.dma_semaphore, #tpu.memory_space<semaphore_mem>>
        %dma_start3A = arith.constant 9680 : i32
        %dma_start3A_52 = arith.constant 0 : i32
        %dma_start3A_53 = tpu.memref_slice %arg7[%dma_start3A, %dma_start3A_52] : memref<10000x128xf32, #tpu.memory_space<vmem_shared>> -> memref<80x128xf32, #tpu.memory_space<vmem_shared>>
        %dma_start3A_54 = arith.constant 9680 : i32
        %dma_start3A_55 = arith.constant 0 : i32
        %dma_start3A_56 = tpu.memref_slice %arg7[%dma_start3A_54, %dma_start3A_55] : memref<10000x128xf32, #tpu.memory_space<vmem_shared>> -> memref<80x128xf32, #tpu.memory_space<vmem_shared>>
        tpu.enqueue_dma source(%arg10 : memref<80x128xf32, #tpu.memory_space<vmem>>) target(%dma_start3A_56 : memref<80x128xf32, #tpu.memory_space<vmem_shared>>) target_semaphore(%run_scoped3A : memref<!tpu.dma_semaphore, #tpu.memory_space<semaphore_mem>>)
        %dma_wait3A = arith.constant 9680 : i32
        %dma_wait3A_57 = arith.constant 0 : i32
        %dma_wait3A_58 = tpu.memref_slice %arg7[%dma_wait3A, %dma_wait3A_57] : memref<10000x128xf32, #tpu.memory_space<vmem_shared>> -> memref<80x128xf32, #tpu.memory_space<vmem_shared>>
        %dma_wait3A_59 = arith.constant 9680 : i32
        %dma_wait3A_60 = arith.constant 0 : i32
        %dma_wait3A_61 = tpu.memref_slice %arg7[%dma_wait3A_59, %dma_wait3A_60] : memref<10000x128xf32, #tpu.memory_space<vmem_shared>> -> memref<80x128xf32, #tpu.memory_space<vmem_shared>>
        tpu.wait_dma2 semaphore(%run_scoped3A : memref<!tpu.dma_semaphore, #tpu.memory_space<semaphore_mem>>) src(%arg10 : memref<80x128xf32, #tpu.memory_space<vmem>>) dst(%dma_wait3A_61 : memref<80x128xf32, #tpu.memory_space<vmem_shared>>)
        tpu.yield
      }) : () -> ()
      "tpu.region"() ({
        %run_scoped3A = tpu.sem_alloc : memref<!tpu.dma_semaphore, #tpu.memory_space<semaphore_mem>>
        %dma_start3A = arith.constant 9760 : i32
        %dma_start3A_52 = arith.constant 0 : i32
        %dma_start3A_53 = tpu.memref_slice %arg7[%dma_start3A, %dma_start3A_52] : memref<10000x128xf32, #tpu.memory_space<vmem_shared>> -> memref<80x128xf32, #tpu.memory_space<vmem_shared>>
        %dma_start3A_54 = arith.constant 9760 : i32
        %dma_start3A_55 = arith.constant 0 : i32
        %dma_start3A_56 = tpu.memref_slice %arg7[%dma_start3A_54, %dma_start3A_55] : memref<10000x128xf32, #tpu.memory_space<vmem_shared>> -> memref<80x128xf32, #tpu.memory_space<vmem_shared>>
        tpu.enqueue_dma source(%arg10 : memref<80x128xf32, #tpu.memory_space<vmem>>) target(%dma_start3A_56 : memref<80x128xf32, #tpu.memory_space<vmem_shared>>) target_semaphore(%run_scoped3A : memref<!tpu.dma_semaphore, #tpu.memory_space<semaphore_mem>>)
        %dma_wait3A = arith.constant 9760 : i32
        %dma_wait3A_57 = arith.constant 0 : i32
        %dma_wait3A_58 = tpu.memref_slice %arg7[%dma_wait3A, %dma_wait3A_57] : memref<10000x128xf32, #tpu.memory_space<vmem_shared>> -> memref<80x128xf32, #tpu.memory_space<vmem_shared>>
        %dma_wait3A_59 = arith.constant 9760 : i32
        %dma_wait3A_60 = arith.constant 0 : i32
        %dma_wait3A_61 = tpu.memref_slice %arg7[%dma_wait3A_59, %dma_wait3A_60] : memref<10000x128xf32, #tpu.memory_space<vmem_shared>> -> memref<80x128xf32, #tpu.memory_space<vmem_shared>>
        tpu.wait_dma2 semaphore(%run_scoped3A : memref<!tpu.dma_semaphore, #tpu.memory_space<semaphore_mem>>) src(%arg10 : memref<80x128xf32, #tpu.memory_space<vmem>>) dst(%dma_wait3A_61 : memref<80x128xf32, #tpu.memory_space<vmem_shared>>)
        tpu.yield
      }) : () -> ()
      "tpu.region"() ({
        %run_scoped3A = tpu.sem_alloc : memref<!tpu.dma_semaphore, #tpu.memory_space<semaphore_mem>>
        %dma_start3A = arith.constant 9840 : i32
        %dma_start3A_52 = arith.constant 0 : i32
        %dma_start3A_53 = tpu.memref_slice %arg7[%dma_start3A, %dma_start3A_52] : memref<10000x128xf32, #tpu.memory_space<vmem_shared>> -> memref<80x128xf32, #tpu.memory_space<vmem_shared>>
        %dma_start3A_54 = arith.constant 9840 : i32
        %dma_start3A_55 = arith.constant 0 : i32
        %dma_start3A_56 = tpu.memref_slice %arg7[%dma_start3A_54, %dma_start3A_55] : memref<10000x128xf32, #tpu.memory_space<vmem_shared>> -> memref<80x128xf32, #tpu.memory_space<vmem_shared>>
        tpu.enqueue_dma source(%arg10 : memref<80x128xf32, #tpu.memory_space<vmem>>) target(%dma_start3A_56 : memref<80x128xf32, #tpu.memory_space<vmem_shared>>) target_semaphore(%run_scoped3A : memref<!tpu.dma_semaphore, #tpu.memory_space<semaphore_mem>>)
        %dma_wait3A = arith.constant 9840 : i32
        %dma_wait3A_57 = arith.constant 0 : i32
        %dma_wait3A_58 = tpu.memref_slice %arg7[%dma_wait3A, %dma_wait3A_57] : memref<10000x128xf32, #tpu.memory_space<vmem_shared>> -> memref<80x128xf32, #tpu.memory_space<vmem_shared>>
        %dma_wait3A_59 = arith.constant 9840 : i32
        %dma_wait3A_60 = arith.constant 0 : i32
        %dma_wait3A_61 = tpu.memref_slice %arg7[%dma_wait3A_59, %dma_wait3A_60] : memref<10000x128xf32, #tpu.memory_space<vmem_shared>> -> memref<80x128xf32, #tpu.memory_space<vmem_shared>>
        tpu.wait_dma2 semaphore(%run_scoped3A : memref<!tpu.dma_semaphore, #tpu.memory_space<semaphore_mem>>) src(%arg10 : memref<80x128xf32, #tpu.memory_space<vmem>>) dst(%dma_wait3A_61 : memref<80x128xf32, #tpu.memory_space<vmem_shared>>)
        tpu.yield
      }) : () -> ()
      "tpu.region"() ({
        %run_scoped3A = tpu.sem_alloc : memref<!tpu.dma_semaphore, #tpu.memory_space<semaphore_mem>>
        %dma_start3A = arith.constant 9920 : i32
        %dma_start3A_52 = arith.constant 0 : i32
        %dma_start3A_53 = tpu.memref_slice %arg7[%dma_start3A, %dma_start3A_52] : memref<10000x128xf32, #tpu.memory_space<vmem_shared>> -> memref<80x128xf32, #tpu.memory_space<vmem_shared>>
        %dma_start3A_54 = arith.constant 9920 : i32
        %dma_start3A_55 = arith.constant 0 : i32
        %dma_start3A_56 = tpu.memref_slice %arg7[%dma_start3A_54, %dma_start3A_55] : memref<10000x128xf32, #tpu.memory_space<vmem_shared>> -> memref<80x128xf32, #tpu.memory_space<vmem_shared>>
        tpu.enqueue_dma source(%arg10 : memref<80x128xf32, #tpu.memory_space<vmem>>) target(%dma_start3A_56 : memref<80x128xf32, #tpu.memory_space<vmem_shared>>) target_semaphore(%run_scoped3A : memref<!tpu.dma_semaphore, #tpu.memory_space<semaphore_mem>>)
        %dma_wait3A = arith.constant 9920 : i32
        %dma_wait3A_57 = arith.constant 0 : i32
        %dma_wait3A_58 = tpu.memref_slice %arg7[%dma_wait3A, %dma_wait3A_57] : memref<10000x128xf32, #tpu.memory_space<vmem_shared>> -> memref<80x128xf32, #tpu.memory_space<vmem_shared>>
        %dma_wait3A_59 = arith.constant 9920 : i32
        %dma_wait3A_60 = arith.constant 0 : i32
        %dma_wait3A_61 = tpu.memref_slice %arg7[%dma_wait3A_59, %dma_wait3A_60] : memref<10000x128xf32, #tpu.memory_space<vmem_shared>> -> memref<80x128xf32, #tpu.memory_space<vmem_shared>>
        tpu.wait_dma2 semaphore(%run_scoped3A : memref<!tpu.dma_semaphore, #tpu.memory_space<semaphore_mem>>) src(%arg10 : memref<80x128xf32, #tpu.memory_space<vmem>>) dst(%dma_wait3A_61 : memref<80x128xf32, #tpu.memory_space<vmem_shared>>)
        tpu.yield
      }) : () -> ()
    } else {
    }
    %barrier3A = arith.constant 0 : index
    tpu.barrier barrier_id(%barrier3A)
    "tpu.region"() ({
      %run_scoped3A = tpu.sem_alloc : memref<!tpu.dma_semaphore, #tpu.memory_space<semaphore_mem>>
      %dma_start3A = arith.constant 0 : i32
      %dma_start3A_52 = arith.constant 0 : i32
      %dma_start3A_53 = tpu.memref_slice %arg4[%add3A, %dma_start3A, %dma_start3A_52] : memref<32x125x80xi32, #tpu.memory_space<hbm>> -> memref<1x125x80xi32, #tpu.memory_space<hbm>>
      %dma_start3A_54 = tpu.memref_squeeze %dma_start3A_53 : memref<1x125x80xi32, #tpu.memory_space<hbm>> -> memref<125x80xi32, #tpu.memory_space<hbm>>
      %dma_start3A_55 = arith.constant 0 : i32
      %dma_start3A_56 = arith.constant 0 : i32
      %dma_start3A_57 = tpu.memref_slice %arg4[%add3A, %dma_start3A_55, %dma_start3A_56] : memref<32x125x80xi32, #tpu.memory_space<hbm>> -> memref<1x125x80xi32, #tpu.memory_space<hbm>>
      %dma_start3A_58 = tpu.memref_squeeze %dma_start3A_57 : memref<1x125x80xi32, #tpu.memory_space<hbm>> -> memref<125x80xi32, #tpu.memory_space<hbm>>
      tpu.enqueue_dma source(%dma_start3A_58 : memref<125x80xi32, #tpu.memory_space<hbm>>) target(%arg8 : memref<125x80xi32, #tpu.memory_space<vmem>>) target_semaphore(%run_scoped3A : memref<!tpu.dma_semaphore, #tpu.memory_space<semaphore_mem>>)
      %dma_wait3A = arith.constant 0 : i32
      %dma_wait3A_59 = arith.constant 0 : i32
      %dma_wait3A_60 = tpu.memref_slice %arg4[%add3A, %dma_wait3A, %dma_wait3A_59] : memref<32x125x80xi32, #tpu.memory_space<hbm>> -> memref<1x125x80xi32, #tpu.memory_space<hbm>>
      %dma_wait3A_61 = tpu.memref_squeeze %dma_wait3A_60 : memref<1x125x80xi32, #tpu.memory_space<hbm>> -> memref<125x80xi32, #tpu.memory_space<hbm>>
      %dma_wait3A_62 = arith.constant 0 : i32
      %dma_wait3A_63 = arith.constant 0 : i32
      %dma_wait3A_64 = tpu.memref_slice %arg4[%add3A, %dma_wait3A_62, %dma_wait3A_63] : memref<32x125x80xi32, #tpu.memory_space<hbm>> -> memref<1x125x80xi32, #tpu.memory_space<hbm>>
      %dma_wait3A_65 = tpu.memref_squeeze %dma_wait3A_64 : memref<1x125x80xi32, #tpu.memory_space<hbm>> -> memref<125x80xi32, #tpu.memory_space<hbm>>
      tpu.wait_dma2 semaphore(%run_scoped3A : memref<!tpu.dma_semaphore, #tpu.memory_space<semaphore_mem>>) src(%dma_wait3A_65 : memref<125x80xi32, #tpu.memory_space<hbm>>) dst(%arg8 : memref<125x80xi32, #tpu.memory_space<vmem>>)
      tpu.yield
    }) : () -> ()
    "tpu.region"() ({
      %run_scoped3A = tpu.sem_alloc : memref<!tpu.dma_semaphore, #tpu.memory_space<semaphore_mem>>
      %dma_start3A = arith.constant 0 : i32
      %dma_start3A_52 = arith.constant 0 : i32
      %dma_start3A_53 = tpu.memref_slice %arg3[%add3A, %dma_start3A, %dma_start3A_52] : memref<32x125x80xi32, #tpu.memory_space<hbm>> -> memref<1x125x80xi32, #tpu.memory_space<hbm>>
      %dma_start3A_54 = tpu.memref_squeeze %dma_start3A_53 : memref<1x125x80xi32, #tpu.memory_space<hbm>> -> memref<125x80xi32, #tpu.memory_space<hbm>>
      %dma_start3A_55 = arith.constant 0 : i32
      %dma_start3A_56 = arith.constant 0 : i32
      %dma_start3A_57 = tpu.memref_slice %arg3[%add3A, %dma_start3A_55, %dma_start3A_56] : memref<32x125x80xi32, #tpu.memory_space<hbm>> -> memref<1x125x80xi32, #tpu.memory_space<hbm>>
      %dma_start3A_58 = tpu.memref_squeeze %dma_start3A_57 : memref<1x125x80xi32, #tpu.memory_space<hbm>> -> memref<125x80xi32, #tpu.memory_space<hbm>>
      tpu.enqueue_dma source(%dma_start3A_58 : memref<125x80xi32, #tpu.memory_space<hbm>>) target(%arg9 : memref<125x80xi32, #tpu.memory_space<vmem>>) target_semaphore(%run_scoped3A : memref<!tpu.dma_semaphore, #tpu.memory_space<semaphore_mem>>)
      %dma_wait3A = arith.constant 0 : i32
      %dma_wait3A_59 = arith.constant 0 : i32
      %dma_wait3A_60 = tpu.memref_slice %arg3[%add3A, %dma_wait3A, %dma_wait3A_59] : memref<32x125x80xi32, #tpu.memory_space<hbm>> -> memref<1x125x80xi32, #tpu.memory_space<hbm>>
      %dma_wait3A_61 = tpu.memref_squeeze %dma_wait3A_60 : memref<1x125x80xi32, #tpu.memory_space<hbm>> -> memref<125x80xi32, #tpu.memory_space<hbm>>
      %dma_wait3A_62 = arith.constant 0 : i32
      %dma_wait3A_63 = arith.constant 0 : i32
      %dma_wait3A_64 = tpu.memref_slice %arg3[%add3A, %dma_wait3A_62, %dma_wait3A_63] : memref<32x125x80xi32, #tpu.memory_space<hbm>> -> memref<1x125x80xi32, #tpu.memory_space<hbm>>
      %dma_wait3A_65 = tpu.memref_squeeze %dma_wait3A_64 : memref<1x125x80xi32, #tpu.memory_space<hbm>> -> memref<125x80xi32, #tpu.memory_space<hbm>>
      tpu.wait_dma2 semaphore(%run_scoped3A : memref<!tpu.dma_semaphore, #tpu.memory_space<semaphore_mem>>) src(%dma_wait3A_65 : memref<125x80xi32, #tpu.memory_space<hbm>>) dst(%arg9 : memref<125x80xi32, #tpu.memory_space<vmem>>)
      tpu.yield
    }) : () -> ()
    %scan3A_14 = arith.constant 0 : i32
    %scan3A_15 = arith.constant 0 : i32
    %scan3A_16 = arith.constant 125 : i32
    %scan3A_17 = arith.addi %scan3A_15, %scan3A_16 : i32
    %scan3A_18 = arith.constant 1 : i32
    scf.for %scan3A_52 = %scan3A_15 to %scan3A_17 step %scan3A_18  : i32 {
      "tpu.region"() ({
        %run_scoped3A = tpu.sem_alloc : memref<!tpu.dma_semaphore, #tpu.memory_space<semaphore_mem>>
        %dma_start3A = arith.constant 0 : i32
        %dma_start3A_53 = tpu.memref_slice %arg9[%scan3A_52, %dma_start3A] : memref<125x80xi32, #tpu.memory_space<vmem>> -> memref<1x80xi32, #tpu.memory_space<vmem>>
        %dma_start3A_54 = tpu.memref_squeeze %dma_start3A_53 : memref<1x80xi32, #tpu.memory_space<vmem>> -> memref<80xi32, #tpu.memory_space<vmem>>
        %dma_start3A_55 = arith.constant 0 : i32
        %dma_start3A_56 = arith.constant 0 : i32
        %dma_start3A_57 = tpu.memref_slice %arg2[%dma_start3A_55, %dma_start3A_56] : memref<10008x128xf32, #tpu.memory_space<hbm>> -> memref<10008x128xf32, #tpu.memory_space<hbm>>
        tpu.enqueue_indirect_dma source(%dma_start3A_57 : memref<10008x128xf32, #tpu.memory_space<hbm>>) target(%arg10 : memref<80x128xf32, #tpu.memory_space<vmem>>) offsets(%dma_start3A_54 : memref<80xi32, #tpu.memory_space<vmem>>) semaphore(%run_scoped3A : memref<!tpu.dma_semaphore, #tpu.memory_space<semaphore_mem>>)
        %dma_wait3A = arith.constant 0 : i32
        %dma_wait3A_58 = tpu.memref_slice %arg9[%scan3A_52, %dma_wait3A] : memref<125x80xi32, #tpu.memory_space<vmem>> -> memref<1x80xi32, #tpu.memory_space<vmem>>
        %dma_wait3A_59 = tpu.memref_squeeze %dma_wait3A_58 : memref<1x80xi32, #tpu.memory_space<vmem>> -> memref<80xi32, #tpu.memory_space<vmem>>
        %dma_wait3A_60 = arith.constant 0 : i32
        %dma_wait3A_61 = arith.constant 0 : i32
        %dma_wait3A_62 = tpu.memref_slice %arg2[%dma_wait3A_60, %dma_wait3A_61] : memref<10008x128xf32, #tpu.memory_space<hbm>> -> memref<10008x128xf32, #tpu.memory_space<hbm>>
        tpu.wait_indirect_dma semaphore(%run_scoped3A : memref<!tpu.dma_semaphore, #tpu.memory_space<semaphore_mem>>) src(%dma_wait3A_62 : memref<10008x128xf32, #tpu.memory_space<hbm>>) dst(%arg10 : memref<80x128xf32, #tpu.memory_space<vmem>>)
        tpu.yield
      }) : () -> ()
      "tpu.region"() ({
        %run_scoped3A = tpu.sem_alloc : memref<!tpu.dma_semaphore, #tpu.memory_space<semaphore_mem>>
        %dma_start3A = arith.constant 0 : i32
        %dma_start3A_53 = tpu.memref_slice %arg8[%scan3A_52, %dma_start3A] : memref<125x80xi32, #tpu.memory_space<vmem>> -> memref<1x80xi32, #tpu.memory_space<vmem>>
        %dma_start3A_54 = tpu.memref_squeeze %dma_start3A_53 : memref<1x80xi32, #tpu.memory_space<vmem>> -> memref<80xi32, #tpu.memory_space<vmem>>
        %dma_start3A_55 = arith.constant 0 : i32
        %dma_start3A_56 = arith.constant 0 : i32
        %dma_start3A_57 = tpu.memref_slice %arg7[%dma_start3A_55, %dma_start3A_56] : memref<10000x128xf32, #tpu.memory_space<vmem_shared>> -> memref<10000x128xf32, #tpu.memory_space<vmem_shared>>
        tpu.enqueue_indirect_dma source(%arg10 : memref<80x128xf32, #tpu.memory_space<vmem>>) target(%dma_start3A_57 : memref<10000x128xf32, #tpu.memory_space<vmem_shared>>) offsets(%dma_start3A_54 : memref<80xi32, #tpu.memory_space<vmem>>) semaphore(%run_scoped3A : memref<!tpu.dma_semaphore, #tpu.memory_space<semaphore_mem>>) {add = true}
        %dma_wait3A = arith.constant 0 : i32
        %dma_wait3A_58 = tpu.memref_slice %arg8[%scan3A_52, %dma_wait3A] : memref<125x80xi32, #tpu.memory_space<vmem>> -> memref<1x80xi32, #tpu.memory_space<vmem>>
        %dma_wait3A_59 = tpu.memref_squeeze %dma_wait3A_58 : memref<1x80xi32, #tpu.memory_space<vmem>> -> memref<80xi32, #tpu.memory_space<vmem>>
        %dma_wait3A_60 = arith.constant 0 : i32
        %dma_wait3A_61 = arith.constant 0 : i32
        %dma_wait3A_62 = tpu.memref_slice %arg7[%dma_wait3A_60, %dma_wait3A_61] : memref<10000x128xf32, #tpu.memory_space<vmem_shared>> -> memref<10000x128xf32, #tpu.memory_space<vmem_shared>>
        tpu.wait_indirect_dma semaphore(%run_scoped3A : memref<!tpu.dma_semaphore, #tpu.memory_space<semaphore_mem>>) src(%arg10 : memref<80x128xf32, #tpu.memory_space<vmem>>) dst(%dma_wait3A_62 : memref<10000x128xf32, #tpu.memory_space<vmem_shared>>)
        tpu.yield
      }) : () -> ()
    }
    %scan3A_19 = arith.constant 125 : i32
    %barrier3A_20 = arith.constant 0 : index
    tpu.barrier barrier_id(%barrier3A_20)
    %eq3A_21 = arith.constant 0 : i32
    %eq3A_22 = arith.cmpi eq, %arg0, %eq3A_21 : i32
    %lt3A_23 = arith.constant 15 : i32
    %lt3A_24 = arith.cmpi slt, %arg1, %lt3A_23 : i32
    %and3A = arith.andi %eq3A_22, %lt3A_24 : i1
    %convert_element_type3A_25 = arith.extui %and3A : i1 to i32
    %cond3A_26 = arith.constant 0 : i32
    %cond3A_27 = arith.cmpi ne, %convert_element_type3A_25, %cond3A_26 : i32
    scf.if %cond3A_27 {
      "tpu.region"() ({
        %run_scoped3A = tpu.sem_alloc : memref<!tpu.dma_semaphore, #tpu.memory_space<semaphore_mem>>
        %dma_start3A = arith.constant 0 : i32
        %dma_start3A_52 = tpu.memref_slice %arg5[%multiple_of3A, %dma_start3A] : memref<10000x128xf32, #tpu.memory_space<hbm>> -> memref<624x128xf32, #tpu.memory_space<hbm>>
        %dma_start3A_53 = arith.constant 0 : i32
        %dma_start3A_54 = tpu.memref_slice %arg7[%multiple_of3A, %dma_start3A_53] : memref<10000x128xf32, #tpu.memory_space<vmem_shared>> -> memref<624x128xf32, #tpu.memory_space<vmem_shared>>
        tpu.enqueue_dma source(%dma_start3A_54 : memref<624x128xf32, #tpu.memory_space<vmem_shared>>) target(%dma_start3A_52 : memref<624x128xf32, #tpu.memory_space<hbm>>) target_semaphore(%run_scoped3A : memref<!tpu.dma_semaphore, #tpu.memory_space<semaphore_mem>>)
        %dma_wait3A = arith.constant 0 : i32
        %dma_wait3A_55 = tpu.memref_slice %arg5[%multiple_of3A, %dma_wait3A] : memref<10000x128xf32, #tpu.memory_space<hbm>> -> memref<624x128xf32, #tpu.memory_space<hbm>>
        %dma_wait3A_56 = arith.constant 0 : i32
        %dma_wait3A_57 = tpu.memref_slice %arg7[%multiple_of3A, %dma_wait3A_56] : memref<10000x128xf32, #tpu.memory_space<vmem_shared>> -> memref<624x128xf32, #tpu.memory_space<vmem_shared>>
        tpu.wait_dma2 semaphore(%run_scoped3A : memref<!tpu.dma_semaphore, #tpu.memory_space<semaphore_mem>>) src(%dma_wait3A_57 : memref<624x128xf32, #tpu.memory_space<vmem_shared>>) dst(%dma_wait3A_55 : memref<624x128xf32, #tpu.memory_space<hbm>>)
        tpu.yield
      }) : () -> ()
    } else {
    }
    %eq3A_28 = arith.constant 0 : i32
    %eq3A_29 = arith.cmpi eq, %arg0, %eq3A_28 : i32
    %eq3A_30 = arith.constant 15 : i32
    %eq3A_31 = arith.cmpi eq, %arg1, %eq3A_30 : i32
    %and3A_32 = arith.andi %eq3A_29, %eq3A_31 : i1
    %convert_element_type3A_33 = arith.extui %and3A_32 : i1 to i32
    %cond3A_34 = arith.constant 0 : i32
    %cond3A_35 = arith.cmpi ne, %convert_element_type3A_33, %cond3A_34 : i32
    scf.if %cond3A_35 {
      "tpu.region"() ({
        %run_scoped3A = tpu.sem_alloc : memref<!tpu.dma_semaphore, #tpu.memory_space<semaphore_mem>>
        %dma_start3A = arith.constant 9360 : i32
        %dma_start3A_52 = arith.constant 0 : i32
        %dma_start3A_53 = tpu.memref_slice %arg5[%dma_start3A, %dma_start3A_52] : memref<10000x128xf32, #tpu.memory_space<hbm>> -> memref<640x128xf32, #tpu.memory_space<hbm>>
        %dma_start3A_54 = arith.constant 9360 : i32
        %dma_start3A_55 = arith.constant 0 : i32
        %dma_start3A_56 = tpu.memref_slice %arg7[%dma_start3A_54, %dma_start3A_55] : memref<10000x128xf32, #tpu.memory_space<vmem_shared>> -> memref<640x128xf32, #tpu.memory_space<vmem_shared>>
        tpu.enqueue_dma source(%dma_start3A_56 : memref<640x128xf32, #tpu.memory_space<vmem_shared>>) target(%dma_start3A_53 : memref<640x128xf32, #tpu.memory_space<hbm>>) target_semaphore(%run_scoped3A : memref<!tpu.dma_semaphore, #tpu.memory_space<semaphore_mem>>)
        %dma_wait3A = arith.constant 9360 : i32
        %dma_wait3A_57 = arith.constant 0 : i32
        %dma_wait3A_58 = tpu.memref_slice %arg5[%dma_wait3A, %dma_wait3A_57] : memref<10000x128xf32, #tpu.memory_space<hbm>> -> memref<640x128xf32, #tpu.memory_space<hbm>>
        %dma_wait3A_59 = arith.constant 9360 : i32
        %dma_wait3A_60 = arith.constant 0 : i32
        %dma_wait3A_61 = tpu.memref_slice %arg7[%dma_wait3A_59, %dma_wait3A_60] : memref<10000x128xf32, #tpu.memory_space<vmem_shared>> -> memref<640x128xf32, #tpu.memory_space<vmem_shared>>
        tpu.wait_dma2 semaphore(%run_scoped3A : memref<!tpu.dma_semaphore, #tpu.memory_space<semaphore_mem>>) src(%dma_wait3A_61 : memref<640x128xf32, #tpu.memory_space<vmem_shared>>) dst(%dma_wait3A_58 : memref<640x128xf32, #tpu.memory_space<hbm>>)
        tpu.yield
      }) : () -> ()
    } else {
    }
    %eq3A_36 = arith.constant 1 : i32
    %eq3A_37 = arith.cmpi eq, %arg0, %eq3A_36 : i32
    %lt3A_38 = arith.constant 15 : i32
    %lt3A_39 = arith.cmpi slt, %arg1, %lt3A_38 : i32
    %and3A_40 = arith.andi %eq3A_37, %lt3A_39 : i1
    %convert_element_type3A_41 = arith.extui %and3A_40 : i1 to i32
    %cond3A_42 = arith.constant 0 : i32
    %cond3A_43 = arith.cmpi ne, %convert_element_type3A_41, %cond3A_42 : i32
    scf.if %cond3A_43 {
      "tpu.region"() ({
        %run_scoped3A = tpu.sem_alloc : memref<!tpu.dma_semaphore, #tpu.memory_space<semaphore_mem>>
        %dma_start3A = arith.constant 0 : i32
        %dma_start3A_52 = tpu.memref_slice %arg6[%multiple_of3A, %dma_start3A] : memref<10000x128xf32, #tpu.memory_space<hbm>> -> memref<624x128xf32, #tpu.memory_space<hbm>>
        %dma_start3A_53 = arith.constant 0 : i32
        %dma_start3A_54 = tpu.memref_slice %arg7[%multiple_of3A, %dma_start3A_53] : memref<10000x128xf32, #tpu.memory_space<vmem_shared>> -> memref<624x128xf32, #tpu.memory_space<vmem_shared>>
        tpu.enqueue_dma source(%dma_start3A_54 : memref<624x128xf32, #tpu.memory_space<vmem_shared>>) target(%dma_start3A_52 : memref<624x128xf32, #tpu.memory_space<hbm>>) target_semaphore(%run_scoped3A : memref<!tpu.dma_semaphore, #tpu.memory_space<semaphore_mem>>)
        %dma_wait3A = arith.constant 0 : i32
        %dma_wait3A_55 = tpu.memref_slice %arg6[%multiple_of3A, %dma_wait3A] : memref<10000x128xf32, #tpu.memory_space<hbm>> -> memref<624x128xf32, #tpu.memory_space<hbm>>
        %dma_wait3A_56 = arith.constant 0 : i32
        %dma_wait3A_57 = tpu.memref_slice %arg7[%multiple_of3A, %dma_wait3A_56] : memref<10000x128xf32, #tpu.memory_space<vmem_shared>> -> memref<624x128xf32, #tpu.memory_space<vmem_shared>>
        tpu.wait_dma2 semaphore(%run_scoped3A : memref<!tpu.dma_semaphore, #tpu.memory_space<semaphore_mem>>) src(%dma_wait3A_57 : memref<624x128xf32, #tpu.memory_space<vmem_shared>>) dst(%dma_wait3A_55 : memref<624x128xf32, #tpu.memory_space<hbm>>)
        tpu.yield
      }) : () -> ()
    } else {
    }
    %eq3A_44 = arith.constant 1 : i32
    %eq3A_45 = arith.cmpi eq, %arg0, %eq3A_44 : i32
    %eq3A_46 = arith.constant 15 : i32
    %eq3A_47 = arith.cmpi eq, %arg1, %eq3A_46 : i32
    %and3A_48 = arith.andi %eq3A_45, %eq3A_47 : i1
    %convert_element_type3A_49 = arith.extui %and3A_48 : i1 to i32
    %cond3A_50 = arith.constant 0 : i32
    %cond3A_51 = arith.cmpi ne, %convert_element_type3A_49, %cond3A_50 : i32
    scf.if %cond3A_51 {
      "tpu.region"() ({
        %run_scoped3A = tpu.sem_alloc : memref<!tpu.dma_semaphore, #tpu.memory_space<semaphore_mem>>
        %dma_start3A = arith.constant 9360 : i32
        %dma_start3A_52 = arith.constant 0 : i32
        %dma_start3A_53 = tpu.memref_slice %arg6[%dma_start3A, %dma_start3A_52] : memref<10000x128xf32, #tpu.memory_space<hbm>> -> memref<640x128xf32, #tpu.memory_space<hbm>>
        %dma_start3A_54 = arith.constant 9360 : i32
        %dma_start3A_55 = arith.constant 0 : i32
        %dma_start3A_56 = tpu.memref_slice %arg7[%dma_start3A_54, %dma_start3A_55] : memref<10000x128xf32, #tpu.memory_space<vmem_shared>> -> memref<640x128xf32, #tpu.memory_space<vmem_shared>>
        tpu.enqueue_dma source(%dma_start3A_56 : memref<640x128xf32, #tpu.memory_space<vmem_shared>>) target(%dma_start3A_53 : memref<640x128xf32, #tpu.memory_space<hbm>>) target_semaphore(%run_scoped3A : memref<!tpu.dma_semaphore, #tpu.memory_space<semaphore_mem>>)
        %dma_wait3A = arith.constant 9360 : i32
        %dma_wait3A_57 = arith.constant 0 : i32
        %dma_wait3A_58 = tpu.memref_slice %arg6[%dma_wait3A, %dma_wait3A_57] : memref<10000x128xf32, #tpu.memory_space<hbm>> -> memref<640x128xf32, #tpu.memory_space<hbm>>
        %dma_wait3A_59 = arith.constant 9360 : i32
        %dma_wait3A_60 = arith.constant 0 : i32
        %dma_wait3A_61 = tpu.memref_slice %arg7[%dma_wait3A_59, %dma_wait3A_60] : memref<10000x128xf32, #tpu.memory_space<vmem_shared>> -> memref<640x128xf32, #tpu.memory_space<vmem_shared>>
        tpu.wait_dma2 semaphore(%run_scoped3A : memref<!tpu.dma_semaphore, #tpu.memory_space<semaphore_mem>>) src(%dma_wait3A_61 : memref<640x128xf32, #tpu.memory_space<vmem_shared>>) dst(%dma_wait3A_58 : memref<640x128xf32, #tpu.memory_space<hbm>>)
        tpu.yield
      }) : () -> ()
    } else {
    }
    return
  }
}

module attributes {stable_mosaic.version = 14 : i64} {
  func.func @_tc_body(%arg0: i32, %arg1: memref<2000x128xf32, #tpu.memory_space<vmem>>, %arg2: memref<2000x128xf32, #tpu.memory_space<vmem>>, %arg3: memref<2000x128xf32, #tpu.memory_space<vmem>>, %arg4: memref<2000x1xi32, #tpu.memory_space<vmem>>, %arg5: memref<128x128xf32, #tpu.memory_space<vmem>>, %arg6: memref<1x128xf32, #tpu.memory_space<vmem>>, %arg7: memref<128x1xf32, #tpu.memory_space<vmem>>, %arg8: memref<1x1xf32, #tpu.memory_space<vmem>>, %arg9: memref<128x1xf32, #tpu.memory_space<vmem>>, %arg10: memref<128x128xf32, #tpu.memory_space<vmem>>, %arg11: memref<1x128xf32, #tpu.memory_space<vmem>>) attributes {dimension_semantics = [#tpu.dimension_semantics<arbitrary>], iteration_bounds = array<i64: 5>, scalar_prefetch = 0 : i64, scratch_operands = 2 : i64, tpu.core_type = #tpu.core_type<tc>, window_params = [{transform_indices = @transform_0, window_bounds = array<i64: 2000, 128>}, {transform_indices = @transform_1, window_bounds = array<i64: 2000, 128>}, {transform_indices = @transform_2, window_bounds = array<i64: 2000, 128>}, {transform_indices = @transform_3, window_bounds = array<i64: 2000, 1>}, {pipeline_mode = #tpu.pipeline_mode<synchronous>, transform_indices = @transform_4, window_bounds = array<i64: 128, 128>}, {pipeline_mode = #tpu.pipeline_mode<synchronous>, transform_indices = @transform_5, window_bounds = array<i64: 1, 128>}, {pipeline_mode = #tpu.pipeline_mode<synchronous>, transform_indices = @transform_6, window_bounds = array<i64: 128, 1>}, {pipeline_mode = #tpu.pipeline_mode<synchronous>, transform_indices = @transform_7, window_bounds = array<i64: 1, 1>}, {pipeline_mode = #tpu.pipeline_mode<synchronous>, transform_indices = @transform_8, window_bounds = array<i64: 128, 1>}]} {
    %eq3A = arith.constant 0 : i32
    %eq3A_0 = arith.cmpi eq, %arg0, %eq3A : i32
    %convert_element_type3A = arith.extui %eq3A_0 : i1 to i32
    %cond3A = arith.constant 0 : i32
    %cond3A_1 = arith.cmpi ne, %convert_element_type3A, %cond3A : i32
    scf.if %cond3A_1 {
      %broadcast_in_dim3A_51 = arith.constant 0.000000e+00 : f32
      %broadcast_in_dim3A_52 = vector.broadcast %broadcast_in_dim3A_51 : f32 to vector<128x128xf32>
      %swap3A_53 = arith.constant 0 : index
      %swap3A_54 = arith.constant 0 : index
      %swap3A_55 = vector.load %arg10[%swap3A_53, %swap3A_54] : memref<128x128xf32, #tpu.memory_space<vmem>>, vector<128x128xf32>
      tpu.vector_store %arg10[%swap3A_53, %swap3A_54], %broadcast_in_dim3A_52 {strides = array<i32>} : memref<128x128xf32, #tpu.memory_space<vmem>>, vector<128x128xf32>,
      %broadcast_in_dim3A_56 = arith.constant 0.000000e+00 : f32
      %broadcast_in_dim3A_57 = vector.broadcast %broadcast_in_dim3A_56 : f32 to vector<1x128xf32>
      %swap3A_58 = arith.constant 0 : index
      %swap3A_59 = arith.constant 0 : index
      %swap3A_60 = vector.load %arg11[%swap3A_58, %swap3A_59] : memref<1x128xf32, #tpu.memory_space<vmem>>, vector<1x128xf32>
      tpu.vector_store %arg11[%swap3A_58, %swap3A_59], %broadcast_in_dim3A_57 {strides = array<i32>} : memref<1x128xf32, #tpu.memory_space<vmem>>, vector<1x128xf32>,
    } else {
    }
    %get3A = arith.constant 0 : index
    %get3A_2 = arith.constant 0 : index
    %get3A_3 = vector.load %arg1[%get3A, %get3A_2] : memref<2000x128xf32, #tpu.memory_space<vmem>>, vector<2000x128xf32>
    %get3A_4 = arith.constant 0 : index
    %get3A_5 = arith.constant 0 : index
    %get3A_6 = vector.load %arg2[%get3A_4, %get3A_5] : memref<2000x128xf32, #tpu.memory_space<vmem>>, vector<2000x128xf32>
    %add3A = arith.addf %get3A_3, %get3A_6 : vector<2000x128xf32>
    %get3A_7 = arith.constant 0 : index
    %get3A_8 = arith.constant 0 : index
    %get3A_9 = vector.load %arg3[%get3A_7, %get3A_8] : memref<2000x128xf32, #tpu.memory_space<vmem>>, vector<2000x128xf32>
    %add3A_10 = arith.addf %add3A, %get3A_9 : vector<2000x128xf32>
    %get3A_11 = arith.constant 0 : index
    %get3A_12 = arith.constant 0 : index
    %get3A_13 = vector.load %arg5[%get3A_11, %get3A_12] : memref<128x128xf32, #tpu.memory_space<vmem>>, vector<128x128xf32>
    %dot_general3A = arith.constant dense<0.000000e+00> : vector<2000x128xf32>
    %dot_general3A_14 = tpu.matmul %add3A_10, %get3A_13, %dot_general3A {dimension_numbers = #tpu.dot_dimension_numbers<[1], [0], [0], [1], [0, 0, 1, 1], [], []>, transpose_lhs_hint = false} : vector<2000x128xf32>, vector<128x128xf32>, vector<2000x128xf32> -> vector<2000x128xf32>
    %get3A_15 = arith.constant 0 : index
    %get3A_16 = arith.constant 0 : index
    %get3A_17 = vector.load %arg6[%get3A_15, %get3A_16] : memref<1x128xf32, #tpu.memory_space<vmem>>, vector<1x128xf32>
    %add3A_18 = vector.broadcast %get3A_17 : vector<1x128xf32> to vector<2000x128xf32>
    %add3A_19 = arith.addf %dot_general3A_14, %add3A_18 : vector<2000x128xf32>
    %max3A = arith.constant 0.000000e+00 : f32
    %max3A_20 = vector.broadcast %max3A : f32 to vector<2000x128xf32>
    %max3A_21 = arith.maximumf %add3A_19, %max3A_20 : vector<2000x128xf32>
    %iota3A = tpu.iota {dimensions = array<i32: 1>} : vector<1x128xi32>
    %get3A_22 = arith.constant 0 : index
    %get3A_23 = arith.constant 0 : index
    %get3A_24 = vector.load %arg4[%get3A_22, %get3A_23] : memref<2000x1xi32, #tpu.memory_space<vmem>>, vector<2000x1xi32>
    %eq3A_25 = vector.broadcast %get3A_24 : vector<2000x1xi32> to vector<2000x128xi32>
    %eq3A_26 = vector.broadcast %iota3A : vector<1x128xi32> to vector<2000x128xi32>
    %eq3A_27 = arith.cmpi eq, %eq3A_25, %eq3A_26 : vector<2000x128xi32>
    %convert_element_type3A_28 = arith.extui %eq3A_27 : vector<2000x128xi1> to vector<2000x128xi32>
    %convert_element_type3A_29 = arith.sitofp %convert_element_type3A_28 : vector<2000x128xi32> to vector<2000x128xf32>
    %get3A_30 = arith.constant 0 : index
    %get3A_31 = arith.constant 0 : index
    %get3A_32 = vector.load %arg10[%get3A_30, %get3A_31] : memref<128x128xf32, #tpu.memory_space<vmem>>, vector<128x128xf32>
    %dot_general3A_33 = arith.constant dense<0.000000e+00> : vector<128x128xf32>
    %dot_general3A_34 = tpu.matmul %convert_element_type3A_29, %max3A_21, %dot_general3A_33 {dimension_numbers = #tpu.dot_dimension_numbers<[0], [0], [1], [1], [0, 1, 1, 1], [], []>, transpose_lhs_hint = false} : vector<2000x128xf32>, vector<2000x128xf32>, vector<128x128xf32> -> vector<128x128xf32>
    %add3A_35 = arith.addf %get3A_32, %dot_general3A_34 : vector<128x128xf32>
    %swap3A = arith.constant 0 : index
    %swap3A_36 = arith.constant 0 : index
    %swap3A_37 = vector.load %arg10[%swap3A, %swap3A_36] : memref<128x128xf32, #tpu.memory_space<vmem>>, vector<128x128xf32>
    tpu.vector_store %arg10[%swap3A, %swap3A_36], %add3A_35 {strides = array<i32>} : memref<128x128xf32, #tpu.memory_space<vmem>>, vector<128x128xf32>,
    %get3A_38 = arith.constant 0 : index
    %get3A_39 = arith.constant 0 : index
    %get3A_40 = vector.load %arg11[%get3A_38, %get3A_39] : memref<1x128xf32, #tpu.memory_space<vmem>>, vector<1x128xf32>
    %reduce_sum3A = arith.constant dense<0.000000e+00> : vector<128xf32>
    %reduce_sum3A_41 = vector.multi_reduction <add>, %convert_element_type3A_29, %reduce_sum3A [0] : vector<2000x128xf32> to vector<128xf32>
    %broadcast_in_dim3A = vector.shape_cast %reduce_sum3A_41 : vector<128xf32> to vector<1x128xf32>
    %add3A_42 = arith.addf %get3A_40, %broadcast_in_dim3A : vector<1x128xf32>
    %swap3A_43 = arith.constant 0 : index
    %swap3A_44 = arith.constant 0 : index
    %swap3A_45 = vector.load %arg11[%swap3A_43, %swap3A_44] : memref<1x128xf32, #tpu.memory_space<vmem>>, vector<1x128xf32>
    tpu.vector_store %arg11[%swap3A_43, %swap3A_44], %add3A_42 {strides = array<i32>} : memref<1x128xf32, #tpu.memory_space<vmem>>, vector<1x128xf32>,
    %eq3A_46 = arith.constant 4 : i32
    %eq3A_47 = arith.cmpi eq, %arg0, %eq3A_46 : i32
    %convert_element_type3A_48 = arith.extui %eq3A_47 : i1 to i32
    %cond3A_49 = arith.constant 0 : i32
    %cond3A_50 = arith.cmpi ne, %convert_element_type3A_48, %cond3A_49 : i32
    scf.if %cond3A_50 {
      %get3A_51 = arith.constant 0 : index
      %get3A_52 = arith.constant 0 : index
      %get3A_53 = vector.load %arg10[%get3A_51, %get3A_52] : memref<128x128xf32, #tpu.memory_space<vmem>>, vector<128x128xf32>
      %get3A_54 = arith.constant 0 : index
      %get3A_55 = arith.constant 0 : index
      %get3A_56 = vector.load %arg11[%get3A_54, %get3A_55] : memref<1x128xf32, #tpu.memory_space<vmem>>, vector<1x128xf32>
      %max3A_57 = arith.constant 1.000000e+00 : f32
      %max3A_58 = vector.broadcast %max3A_57 : f32 to vector<1x128xf32>
      %max3A_59 = arith.maximumf %get3A_56, %max3A_58 : vector<1x128xf32>
      %transpose3A = tpu.transpose %max3A_59, [1, 0] : vector<1x128xf32> -> vector<128x1xf32>
      %div3A = vector.broadcast %transpose3A : vector<128x1xf32> to vector<128x128xf32>
      %div3A_60 = arith.divf %get3A_53, %div3A : vector<128x128xf32>
      %get3A_61 = arith.constant 0 : index
      %get3A_62 = arith.constant 0 : index
      %get3A_63 = vector.load %arg7[%get3A_61, %get3A_62] : memref<128x1xf32, #tpu.memory_space<vmem>>, vector<128x1xf32>
      %dot_general3A_64 = arith.constant dense<0.000000e+00> : vector<128x1xf32>
      %dot_general3A_65 = tpu.matmul %div3A_60, %get3A_63, %dot_general3A_64 {dimension_numbers = #tpu.dot_dimension_numbers<[1], [0], [0], [1], [0, 0, 1, 1], [], []>, transpose_lhs_hint = false} : vector<128x128xf32>, vector<128x1xf32>, vector<128x1xf32> -> vector<128x1xf32>
      %get3A_66 = arith.constant 0 : index
      %get3A_67 = arith.constant 0 : index
      %get3A_68 = vector.load %arg8[%get3A_66, %get3A_67] : memref<1x1xf32, #tpu.memory_space<vmem>>, vector<1x1xf32>
      %add3A_69 = vector.broadcast %get3A_68 : vector<1x1xf32> to vector<128x1xf32>
      %add3A_70 = arith.addf %dot_general3A_65, %add3A_69 : vector<128x1xf32>
      %swap3A_71 = arith.constant 0 : index
      %swap3A_72 = arith.constant 0 : index
      %swap3A_73 = vector.load %arg9[%swap3A_71, %swap3A_72] : memref<128x1xf32, #tpu.memory_space<vmem>>, vector<128x1xf32>
      tpu.vector_store %arg9[%swap3A_71, %swap3A_72], %add3A_70 {strides = array<i32>} : memref<128x1xf32, #tpu.memory_space<vmem>>, vector<128x1xf32>,
    } else {
    }
    return
  }
  func.func @transform_0(%arg0: i32) -> (i32, i32) {
    %c0_i32 = arith.constant 0 : i32
    %c0_i32_0 = arith.constant 0 : i32
    return %arg0, %c0_i32 : i32, i32
  }
  func.func @transform_1(%arg0: i32) -> (i32, i32) {
    %c0_i32 = arith.constant 0 : i32
    %c0_i32_0 = arith.constant 0 : i32
    return %arg0, %c0_i32 : i32, i32
  }
  func.func @transform_2(%arg0: i32) -> (i32, i32) {
    %c0_i32 = arith.constant 0 : i32
    %c0_i32_0 = arith.constant 0 : i32
    return %arg0, %c0_i32 : i32, i32
  }
  func.func @transform_3(%arg0: i32) -> (i32, i32) {
    %c0_i32 = arith.constant 0 : i32
    %c0_i32_0 = arith.constant 0 : i32
    return %arg0, %c0_i32 : i32, i32
  }
  func.func @transform_4(%arg0: i32) -> (i32, i32) {
    %c0_i32 = arith.constant 0 : i32
    %c0_i32_0 = arith.constant 0 : i32
    %c0_i32_1 = arith.constant 0 : i32
    return %c0_i32, %c0_i32_0 : i32, i32
  }
  func.func @transform_5(%arg0: i32) -> (i32, i32) {
    %c0_i32 = arith.constant 0 : i32
    %c0_i32_0 = arith.constant 0 : i32
    %c0_i32_1 = arith.constant 0 : i32
    return %c0_i32, %c0_i32_0 : i32, i32
  }
  func.func @transform_6(%arg0: i32) -> (i32, i32) {
    %c0_i32 = arith.constant 0 : i32
    %c0_i32_0 = arith.constant 0 : i32
    %c0_i32_1 = arith.constant 0 : i32
    return %c0_i32, %c0_i32_0 : i32, i32
  }
  func.func @transform_7(%arg0: i32) -> (i32, i32) {
    %c0_i32 = arith.constant 0 : i32
    %c0_i32_0 = arith.constant 0 : i32
    %c0_i32_1 = arith.constant 0 : i32
    return %c0_i32, %c0_i32_0 : i32, i32
  }
  func.func @transform_8(%arg0: i32) -> (i32, i32) {
    %c0_i32 = arith.constant 0 : i32
    %c0_i32_0 = arith.constant 0 : i32
    %c0_i32_1 = arith.constant 0 : i32
    return %c0_i32, %c0_i32_0 : i32, i32
  }
}

</mosaic_0001>

<sc_bundles>
// kernel: kernel.4.cloned.1.call-start
scs
__scs_entry_jumppad:
0x0: {  	(pc) =	sbr.rel $0x88, $3  }
0x1: {  	(tag) =	ssettag $0x0;
	lr =	simm.s32 $0x1  }
0x2: {  	[smem:$0x3F9A] =	sst lr;
	_ =	strace $0xD0000000  }
0x3: {  	_ = 	snop  }
0x4: {  	_ = 	snop  }
0x5: {  	_ = 	snop  }
0x6: {  	_ = 	snop  }
0x7: {  	_ = 	snop  }
__scs_overlays_trampoline_lowered:
0x8: {  	[smem:$0x3FA9] =	sst s0  }
0x9: {  	[smem:$0x3FAA] =	sst s1  }
0xa: {  	[smem:$0x3FAB] =	sst s2  }
0xb: {  	[smem:$0x3FAC] =	sst s3  }
0xc: {  	[smem:$0x3FAD] =	sst s4  }
0xd: {  	[smem:$0x3FAE] =	sst s5  }
0xe: {  	[smem:$0x3FAF] =	sst s6  }
0xf: {  	[smem:$0x3FB0] =	sst s7  }
0x10: {  	[smem:$0x3FB1] =	sst s8  }
0x11: {  	[smem:$0x3FB2] =	sst s9;
	s0 =	simm.s32 @!p0 $0x0  }
0x12: {  	s1 =	sld [smem:$0x3F98];
	s0 =	simm.s32 @p0 $0x1  }
0x13: {  	[smem:$0x3FB3] =	sst s0;
	s0 =	simm.s32 @!p1 $0x0  }
0x14: {  	s2 =	sld [smem:$0x3F97];
	s0 =	simm.s32 @p1 $0x1  }
0x15: {  	[smem:$0x3FB4] =	sst s0;
	s0 =	simm.s32 @!p2 $0x0  }
0x16: {  	s3 =	sld [smem:$0x3FDB];
	s0 =	simm.s32 @p2 $0x1  }
0x17: {  	s4 =	simm.s32 $0x1BF5;
	[smem:$0x3FB6] =	sst s0  }
0x18: {  	s0 =	sld [smem:$0x3F99];
	_ =	swait.ge [sflag:s4], $0x0  }
0x19: {  	s7 =	sld [smem:$0x3F9A]  }
0x1a: {  	s8 =	sadd.s32 $0xFFFFE003, lr  }
0x1b: {  	s9 =	sadd.s32 $0xFFFFFEF7, lr;
	s5 =	simm.s32 $0xFFFFFFFF;
	p2 =	slt.u32 s8, $0xFFFFF086  }
0x1c: {  	p1 =	slt.u32 s9, $0xF7A;
	s5 =	simm.s32 @!p2 $0x0  }
0x1d: {  	s5 =	simm.s32 @p1 $0x1;
	p0 =	seq.s32 s7, s2  }
0x1e: {  	s7 =	smul.u32 @!p0 $0xF7A, s2;
	p2 =	seq.s32 @!p0 s5, $0x0  }
0x1f: {  	s9 =	smul.u32 $0xF7A, s1;
	s8 =	simm.s32 @!p0 $0x1BF5;
	p2 =	por !p2, p0  }
0x20: {  	[sflag:s8] =	ssyncset.s32 @!p0 $0xFFFFF086;
	s6 =	sadd.s32 @!p0 s3, s7;
	s7 =	simm.s32 @!p0 $0x108  }
0x21: {  	s3 =	sadd.s32 s3, s9;
	s6 =	sadd.s32 @!p0 $0x88, s6;
	s7 =	simm.s32 @p2 $0x1082  }
0x22: {  	[simem:s7], [sflag:s8] =	dma.local @!p0 [hbm:s6], $0xF7A  }
0x23: {  	s9 =	sor.u32 $0xD0000000, s2;
	s6 =	simm.s32 $0x108;
	_ =	swait.ge @!p0 [sflag:s8], $0x0  }
0x24: {  	s3 =	sadd.s32 $0x88, s3;
	s6 =	simm.s32 @!p1 $0x1082;
	[sflag:s4] =	ssyncset.s32 $0xFFFFF086  }
0x25: {  	[simem:s6], [sflag:s4] =	dma.local [hbm:s3], $0xF7A  }
0x26: {  	[smem:$0x3F9A] =	sst s1;
	(tag) =	ssettag s2;
	_ =	strace s9  }
0x27: {  	s1 =	sld [smem:$0x3FAA]  }
0x28: {  	s2 =	sld [smem:$0x3FAB]  }
0x29: {  	s4 =	sld [smem:$0x3FAD]  }
0x2a: {  	p0 =	seq.s32 s5, $0x0;
	s5 =	sld [smem:$0x3FAE]  }
0x2b: {  	s6 =	sld [smem:$0x3FAF]  }
0x2c: {  	s7 =	sld [smem:$0x3FB0]  }
0x2d: {  	s3 =	simm.s32 $0x108;
	s8 =	sld [smem:$0x3FB1]  }
0x2e: {  	s3 =	simm.s32 @!p0 $0x1082;
	s9 =	sld [smem:$0x3FB2]  }
0x2f: {  	lr =	sadd.s32 s0, s3;
	s0 =	sld [smem:$0x3FA9]  }
0x30: {  	s3 =	sld [smem:$0x3FAC]  }
0x31: {  	[smem:$0x3FB5] =	sst s10  }
0x32: {  	s10 =	sld [smem:$0x3FB3];
	_ =	sdelay $0x3  }
0x33: {  	p0 =	seq.s32 s10, $0x1;
	s10 =	sld [smem:$0x3FB5];
	_ =	sdelay $0x3  }
0x34: {  	[smem:$0x3FB5] =	sst s10  }
0x35: {  	s10 =	sld [smem:$0x3FB4];
	_ =	sdelay $0x3  }
0x36: {  	p1 =	seq.s32 s10, $0x1;
	s10 =	sld [smem:$0x3FB5];
	_ =	sdelay $0x3  }
0x37: {  	[smem:$0x3FB5] =	sst s10  }
0x38: {  	s10 =	sld [smem:$0x3FB6]  }
0x39: {  	_ = 	snop;
	(pc) =	sbr.ind lr, $3  }
0x3a: {  	_ = 	snop  }
0x3b: {  	_ = 	snop  }
0x3c: {  	p2 =	seq.s32 s10, $0x1;
	s10 =	sld [smem:$0x3FB5]  }
0x3d: {  	_ =	shalt  }
0x3e: {  	_ =	shalt  }
0x3f: {  	_ =	shalt  }
0x40: {  	_ =	shalt  }
0x41: {  	_ =	shalt  }
0x42: {  	_ =	shalt  }
0x43: {  	_ =	shalt  }
0x44: {  	_ =	shalt  }
0x45: {  	_ =	shalt  }
0x46: {  	_ =	shalt  }
0x47: {  	_ =	shalt  }
0x48: {  	_ =	shalt  }
0x49: {  	_ =	shalt  }
0x4a: {  	_ =	shalt  }
0x4b: {  	_ =	shalt  }
0x4c: {  	_ =	shalt  }
0x4d: {  	_ =	shalt  }
0x4e: {  	_ =	shalt  }
0x4f: {  	_ =	shalt  }
0x50: {  	_ =	shalt  }
0x51: {  	_ =	shalt  }
0x52: {  	_ =	shalt  }
0x53: {  	_ =	shalt  }
0x54: {  	_ =	shalt  }
0x55: {  	_ =	shalt  }
0x56: {  	_ =	shalt  }
0x57: {  	_ =	shalt  }
0x58: {  	_ =	shalt  }
0x59: {  	_ =	shalt  }
0x5a: {  	_ =	shalt  }
0x5b: {  	_ =	shalt  }
0x5c: {  	_ =	shalt  }
0x5d: {  	_ =	shalt  }
0x5e: {  	_ =	shalt  }
0x5f: {  	_ =	shalt  }
0x60: {  	_ =	shalt  }
0x61: {  	_ =	shalt  }
0x62: {  	_ =	shalt  }
0x63: {  	_ =	shalt  }
0x64: {  	_ =	shalt  }
0x65: {  	_ =	shalt  }
0x66: {  	_ =	shalt  }
0x67: {  	_ =	shalt  }
0x68: {  	_ =	shalt  }
0x69: {  	_ =	shalt  }
0x6a: {  	_ =	shalt  }
0x6b: {  	_ =	shalt  }
0x6c: {  	_ =	shalt  }
0x6d: {  	_ =	shalt  }
0x6e: {  	_ =	shalt  }
0x6f: {  	_ =	shalt  }
0x70: {  	_ =	shalt  }
0x71: {  	_ =	shalt  }
0x72: {  	_ =	shalt  }
0x73: {  	_ =	shalt  }
0x74: {  	_ =	shalt  }
0x75: {  	_ =	shalt  }
0x76: {  	_ =	shalt  }
0x77: {  	_ =	shalt  }
0x78: {  	_ =	shalt  }
0x79: {  	_ =	shalt  }
0x7a: {  	_ =	shalt  }
0x7b: {  	_ =	shalt  }
0x7c: {  	_ =	shalt  }
0x7d: {  	_ =	shalt  }
0x7e: {  	_ =	shalt  }
0x7f: {  	_ =	shalt  }
0x80: {  	_ =	shalt  }
0x81: {  	_ =	shalt  }
0x82: {  	_ =	shalt  }
0x83: {  	_ =	shalt  }
0x84: {  	_ =	shalt  }
0x85: {  	_ =	shalt  }
0x86: {  	_ =	shalt  }
0x87: {  	_ =	shalt  }
.Lfunc_end0:
.L_simem_size_0:
called_computation_lowered:
.L_overlay_start_0:
0x88: {  	s2 =	sld [smem:$0x3FD9]  }
0x89: {  	s3 =	sld [smem:$0x3FFE];
	_ =	sdelay $0x1  }
0x8a: {  	s1 =	srdreg.scid  }
0x8b: {  	s0 =	sand.u32 $0x1, s1  }
0x8c: {  	s16 =	sshll.u32 s0, $0xA;
	s2 =	sadd.s32 s3, s2  }
0x8d: {  	s2 =	sadd.s32 s2, s16  }
0x8e: {  	[smem:$0x3FC1] =	sst s2  }
0x8f: {  	_ = 	snop  }
0x90: {  	(tm) =	ssettm $0x1  }
0x91: {  	s17 =	sld [smem:$0x3FFB];
	_ =	sdelay $0x3  }
0x92: {  	_ =	strace s17  }
0x93: {  	s2 =	sld [smem:$0x3FFC];
	_ =	sdelay $0x3  }
0x94: {  	_ =	strace s2  }
0x95: {  	s2 =	sld [smem:$0x3FFD];
	_ =	sdelay $0x3  }
0x96: {  	_ =	strace s2  }
0x97: {  	_ =	strace $0x8FFFFFFF  }
0x98: {  	s18 =	sld [smem:$0x3FDB];
	_ =	sdelay $0x1  }
0x99: {  	s19 =	simm.s32 $_scs_section_size  }
0x9a: {  	s4 =	simm.s32 $_size__tile_overlayer_lowered;
	s5 =	simm.s32 $_tile_overlayer_lowered  }
0x9b: {  	s22 =	simm.s32 $0x1BFF;
	s21 =	sshll.u32 s5, $0x1;
	s2 =	sadd.s32 s19, s18  }
0x9c: {  	s6 =	simm.s32 $0x0;
	s20 =	sshll.u32 s4, $0x1;
	s4 =	sadd.s32 s21, s2  }
0x9d: {  	[timem:s6], [sflag:s22] =	dma.local [hbm:s4], s20  }
0x9e: {  	_ =	swait.ge [sflag:s22], s20  }
0x9f: {  	s3 =	ssub.s32 $0x0, s20;
	[sflag:s22] =	ssyncset.done $0x0  }
0xa0: {  	[sflag:s22] =	ssyncadd.s32 s3;
	_ =	sdelay $0x1  }
0xa1: {  	s23 =	simm.s32 $0x1B8B  }
0xa2: {  	_ =	swait.ge [sflag:s23], $0x1  }
0xa3: {  	[sflag:s23] =	ssyncset.done $0x0  }
0xa4: {  	s25 =	simm.s32 $0x1B8E;
	s24 =	sld [smem:$0x3FFE];
	[sflag:s23] =	ssyncadd.s32 $0xFFFFFFFF  }
0xa5: {  	s26 =	simm.s32 $execute0_lowered;
	[smem:$0x3FD2] =	sst s25  }
0xa6: {  	s4 =	sshll.u32 s26, $0x1;
	_ =	strace $0x80000046;
	[dreg:$0x1] =	wrdreg $0xFFFFFFFF  }
0xa7: {  	s28 =	simm.s32 $_size_execute0_lowered;
	s2 =	sadd.s32 s2, s4;
	[dreg:$0x0] =	wrdreg $0x0  }
0xa8: {  	s4 =	sshll.u32 s28, $0x1;
	[dreg:$0x2] =	wrdreg s2  }
0xa9: {  	[dreg:$0x3] =	wrdreg s4  }
0xaa: {  	[dreg:$0x4] =	wrdreg $0xC0  }
0xab: {  	_ =	task [dreg:s6], $0x5FFFF  }
0xac: {  	[dreg:$0x1] =	wrdreg $0xFFFFFFFF  }
0xad: {  	[dreg:$0x0] =	wrdreg $0x60  }
0xae: {  	[dreg:$0x2] =	wrdreg s24  }
0xaf: {  	[dreg:$0x3] =	wrdreg $0x0  }
0xb0: {  	[dreg:$0x4] =	wrdreg $0x9  }
0xb1: {  	_ =	task.clear_ibuf [dreg:s6], $0x5FFFF;
	_ =	strace $0x90000046  }
0xb2: {  	s29 =	simm.s32 $0x9;
	_ =	strace $0x80000048  }
0xb3: {  	_ =	swait.ge [sflag:s29], $0x1  }
0xb4: {  	[sflag:s29] =	ssyncadd.s32 $0xFFFFFFFF  }
0xb5: {  	_ =	strace $0x90000048  }
0xb6: {  	_ =	sfence  }
0xb7: {  	s30 =	sld [smem:$0x0];
	_ =	sdelay $0x2  }
0xb8: {  	s31 =	sshll.u32 s1, $0xD;
	s1 =	sshrl.u32 s1, $0x2  }
0xb9: {  	s3 =	sand.u32 $0x4000, s31;
	s1 =	sadd.s32 s1, s30  }
0xba: {  	s0 =	sor.u32 s3, s0;
	s1 =	sshll.u32 s1, $0x11  }
0xbb: {  	s0 =	sor.u32 s1, s0  }
0xbc: {  	s0 =	sadd.s32 $0x8F2B, s0  }
0xbd: {  	[sflag:s0] =	ssyncadd.remote.s32 $0x1  }
0xbe: {  	_ =	sfence.sel $0xFFFF  }
0xbf: {  	[dreg:$0x0] =	wrdreg $0xFFFFFFFF;
	(pc) =	sbr.abs _section_cstart, $3  }
0xc0: {  	[dreg:$0x1] =	wrdreg $0xFFFFFFFF  }
0xc1: {  	_ =	task.clear_ibuf [dreg:s6], $0x2FFFF;
	_ =	strace $0x9FFFFFFF  }
0xc2: {  	(tm) =	ssettm $0x7FFFFFFF  }
0xc3: {  	_ =	shalt  }
tec
execute0_lowered:
.L_overlay_start_1:
0x0: {  	(tag) =	ssettag $0x1  }
0x1: {  	s0 =	rddreg [dreg:$0x0]  }
0x2: {  	s2 =	rddreg [dreg:$0x1];
	s4 =	srdreg.scid  }
0x3: {  	s3 =	simm.s32 $0x0;
	s1 =	stileid.u32;
	s30 =	simm.s32 $0x1  }
0x4: {  	s5 =	sand.u32 $0x1, s4;
	[smem:$0x7FF] =	sst s3;
	s6 =	sshll.u32 s1, $0xB  }
0x5: {  	s8 =	sadd.s32 $0x47A00, s0;
	s24 =	sadd.s32 $0x6EC00, s0;
	p0 =	seq.s32 s1, $0xF  }
0x6: {  	s11 =	smul.u32 $0x4E000, s1;
	p4 =	sne.s32 s1, $0xF;
	s9 =	sadd.s32 $0x127000, s2  }
0x7: {  	s10 =	sadd.s32 $0x12C000, s2;
	s12 =	sadd.s32 $0x131000, s2;
	s14 =	sadd.s32 $0x133800, s2  }
0x8: {  	s15 =	sadd.s32 $0x136000, s2;
	s31 =	smul.u32 $0x2700, s1;
	s4 =	sshll.u32 s5, $0xF  }
0x9: {  	_ =	strace $0x80000047;
	s7 =	ssub.s32 $0x2, s5;
	[dreg:$0x5] =	wrdreg s9  }
0xa: {  	s9 =	sadd.s32 $0x129800, s2;
	p2 =	seq.s32 s5, $0x0;
	[dreg:$0x3] =	wrdreg s8  }
0xb: {  	[dreg:$0x4] =	wrdreg s24;
	s6 =	sor.u32 s6, s4;
	s4 =	sadd.s32 $0x20800, s0  }
0xc: {  	s29 =	sshrl.u32 s7, $0x1;
	s13 =	sshrl.u32 s11, $0x2;
	s11 =	sadd.s32 $0x12E800, s2  }
0xd: {  	p1 =	por !p2, !p4;
	p3 =	por !p2, !p0;
	p2 =	seq.s32 s5, $0x1  }
0xe: {  	s23 =	sadd.s32 s8, s31;
	s24 =	sadd.s32 s24, s31;
	s5 =	simm.s32 $0x1B880  }
0xf: {  	s6 =	sadd.s32 s6, s0;
	s0 =	ssub.s32 s7, s29;
	s7 =	sadd.s32 $0x124800, s2  }
0x10: {  	s13 =	sadd.s32 s13, s2;
	p1 =	por !p1, !p1;
	p3 =	por !p3, !p3  }
.Ltmp0:
0x11: {  	p4 =	por !p4, !p2;
	s16 =	sadd.s32 $0x2800, s13;
	(pc) =	sbr.rel .LBB2_1-.Ltmp0, $4  }
0x12: {  	s17 =	sadd.s32 $0x5000, s13;
	s18 =	sadd.s32 $0x7800, s13;
	s19 =	sadd.s32 $0xA000, s13  }
0x13: {  	s20 =	sadd.s32 $0xC800, s13;
	s21 =	sadd.s32 $0x10800, s6;
	s22 =	sadd.s32 $0x800, s6  }
0x14: {  	p4 =	por !p4, !p4;
	s25 =	smax.u32 s0, $0x1;
	s26 =	sadd.s32 $0xF000, s13  }
0x15: {  	v0 =	vimm.f32 $0.0e+00;
	s28 =	sadd.s32 $0x11800, s13;
	s0 =	simm.s32 $0x50;
	p4 =	por !p4, p3  }
.LBB2_7:
0x16: {  	s3 =	sadd.s32 $0x1, s3  }
0x17: {  	p5 =	sne.s32 s3, s25  }
.Ltmp1:
0x18: {  	_ = 	snop;
	(pc) =	sbr.rel @!p5 .LBB2_8-.Ltmp1, $1  }
0x19: {  	_ =	sdelay $0x3  }
.LBB2_1:
0x1a: {  	s6 =	simm.s32 $0x0;
	s29 =	simm.s32 $0x200  }
.LBB2_2:
0x1b: {  	p5 =	sne.s32 s29, $0x9E00;
	[tilespmem:s6+$0x1B8F0] =	vst v0  }
0x1c: {  	[tilespmem:s6+$0x1B880] =	vst v0  }
0x1d: {  	[tilespmem:s6+$0x1B890] =	vst v0  }
.Ltmp2:
0x1e: {  	[tilespmem:s6+$0x1B8A0] =	vst v0;
	(pc) =	sbr.rel @p5 .LBB2_2-.Ltmp2, $4  }
0x1f: {  	[tilespmem:s6+$0x1B8B0] =	vst v0  }
0x20: {  	[tilespmem:s6+$0x1B8C0] =	vst v0  }
0x21: {  	[tilespmem:s6+$0x1B8D0] =	vst v0  }
0x22: {  	[tilespmem:s6+$0x1B8E0] =	vst v0;
	s6 =	sshra.s32 s29, $0x2;
	s29 =	sadd.s32 $0x200, s29  }
0x23: {  	[tilespmem:s6+$0x1B8F0] =	vst v0  }
0x24: {  	[tilespmem:s6+$0x1B880] =	vst v0  }
0x25: {  	[tilespmem:s6+$0x1B890] =	vst v0  }
0x26: {  	[tilespmem:s6+$0x1B8A0] =	vst v0  }
0x27: {  	[tilespmem:s6+$0x1B8B0] =	vst v0  }
0x28: {  	[tilespmem:s6+$0x1B8C0] =	vst v0  }
0x29: {  	[tilespmem:s6+$0x1B8D0] =	vst v0  }
0x2a: {  	[tilespmem:s6+$0x1B8E0] =	vst v0;
	s6 =	simm.s32 @p0 $0x1B880;
	s29 =	simm.s32 @p0 $0x1  }
0x2b: {  	[spmem:s7] =	stream.linear.scatter @p0 [tilespmem:s6], [sflag:$0x1], $0x2800, $0x38;
	[tilespmem:$0x1E080] =	vst v63  }
0x2c: {  	_ =	swait.ge @p0 [sflag:s29], $0x2800  }
0x2d: {  	[sflag:s29] =	ssyncset.done @p0 $0x0  }
0x2e: {  	s1 =	rddreg [dreg:$0x5];
	[sflag:s29] =	ssyncadd.s32 @p0 $0xFFFFD800  }
0x2f: {  	[spmem:s1] =	stream.linear.scatter @p0 [tilespmem:s6], [sflag:$0x1], $0x2800, $0x38;
	[tilespmem:$0x1E080] =	vst v63  }
0x30: {  	_ =	swait.ge @p0 [sflag:s29], $0x2800  }
0x31: {  	[sflag:s29] =	ssyncset.done @p0 $0x0  }
0x32: {  	[sflag:s29] =	ssyncadd.s32 @p0 $0xFFFFD800  }
0x33: {  	[spmem:s9] =	stream.linear.scatter @p0 [tilespmem:s6], [sflag:$0x1], $0x2800, $0x38;
	[tilespmem:$0x1E080] =	vst v63  }
0x34: {  	_ =	swait.ge @p0 [sflag:s29], $0x2800  }
0x35: {  	[sflag:s29] =	ssyncset.done @p0 $0x0  }
0x36: {  	[sflag:s29] =	ssyncadd.s32 @p0 $0xFFFFD800  }
0x37: {  	[spmem:s10] =	stream.linear.scatter @p0 [tilespmem:s6], [sflag:$0x1], $0x2800, $0x38;
	[tilespmem:$0x1E080] =	vst v63  }
0x38: {  	_ =	swait.ge @p0 [sflag:s29], $0x2800  }
0x39: {  	[sflag:s29] =	ssyncset.done @p0 $0x0  }
0x3a: {  	[sflag:s29] =	ssyncadd.s32 @p0 $0xFFFFD800  }
0x3b: {  	[spmem:s11] =	stream.linear.scatter @p0 [tilespmem:s6], [sflag:$0x1], $0x2800, $0x38;
	[tilespmem:$0x1E080] =	vst v63  }
0x3c: {  	_ =	swait.ge @p0 [sflag:s29], $0x2800  }
0x3d: {  	[sflag:s29] =	ssyncset.done @p0 $0x0  }
0x3e: {  	[sflag:s29] =	ssyncadd.s32 @p0 $0xFFFFD800  }
0x3f: {  	[spmem:s12] =	stream.linear.scatter @p0 [tilespmem:s6], [sflag:$0x1], $0x2800, $0x38;
	[tilespmem:$0x1E080] =	vst v63  }
0x40: {  	_ =	swait.ge @p0 [sflag:s29], $0x2800  }
0x41: {  	[sflag:s29] =	ssyncset.done @p0 $0x0  }
0x42: {  	[sflag:s29] =	ssyncadd.s32 @p0 $0xFFFFD800  }
0x43: {  	[spmem:s14] =	stream.linear.scatter @p0 [tilespmem:s6], [sflag:$0x1], $0x2800, $0x38;
	[tilespmem:$0x1E080] =	vst v63  }
0x44: {  	_ =	swait.ge @p0 [sflag:s29], $0x2800  }
0x45: {  	[sflag:s29] =	ssyncset.done @p0 $0x0  }
0x46: {  	[sflag:s29] =	ssyncadd.s32 @p0 $0xFFFFD800  }
0x47: {  	[spmem:s15] =	stream.linear.scatter @p0 [tilespmem:s6], [sflag:$0x1], $0x2800, $0x38;
	[tilespmem:$0x1E080] =	vst v63  }
0x48: {  	_ =	swait.ge @p0 [sflag:s29], $0x2800  }
0x49: {  	[sflag:s29] =	ssyncset.done @p0 $0x0  }
0x4a: {  	s6 =	simm.s32 @!p0 $0x1B880;
	[sflag:s29] =	ssyncadd.s32 @p0 $0xFFFFD800;
	s29 =	simm.s32 @!p0 $0x1  }
0x4b: {  	[spmem:s13] =	stream.linear.scatter @!p0 [tilespmem:s6], [sflag:$0x1], $0x2800, $0x38;
	[tilespmem:$0x1E080] =	vst v63  }
0x4c: {  	_ =	swait.ge @!p0 [sflag:s29], $0x2800  }
0x4d: {  	[sflag:s29] =	ssyncset.done @!p0 $0x0  }
0x4e: {  	[sflag:s29] =	ssyncadd.s32 @!p0 $0xFFFFD800  }
0x4f: {  	[spmem:s16] =	stream.linear.scatter @!p0 [tilespmem:s6], [sflag:$0x1], $0x2800, $0x38;
	[tilespmem:$0x1E080] =	vst v63  }
0x50: {  	_ =	swait.ge @!p0 [sflag:s29], $0x2800  }
0x51: {  	[sflag:s29] =	ssyncset.done @!p0 $0x0  }
0x52: {  	[sflag:s29] =	ssyncadd.s32 @!p0 $0xFFFFD800  }
0x53: {  	[spmem:s17] =	stream.linear.scatter @!p0 [tilespmem:s6], [sflag:$0x1], $0x2800, $0x38;
	[tilespmem:$0x1E080] =	vst v63  }
0x54: {  	_ =	swait.ge @!p0 [sflag:s29], $0x2800  }
0x55: {  	[sflag:s29] =	ssyncset.done @!p0 $0x0  }
0x56: {  	[sflag:s29] =	ssyncadd.s32 @!p0 $0xFFFFD800  }
0x57: {  	[spmem:s18] =	stream.linear.scatter @!p0 [tilespmem:s6], [sflag:$0x1], $0x2800, $0x38;
	[tilespmem:$0x1E080] =	vst v63  }
0x58: {  	_ =	swait.ge @!p0 [sflag:s29], $0x2800  }
0x59: {  	[sflag:s29] =	ssyncset.done @!p0 $0x0  }
0x5a: {  	[sflag:s29] =	ssyncadd.s32 @!p0 $0xFFFFD800  }
0x5b: {  	[spmem:s19] =	stream.linear.scatter @!p0 [tilespmem:s6], [sflag:$0x1], $0x2800, $0x38;
	[tilespmem:$0x1E080] =	vst v63  }
0x5c: {  	_ =	swait.ge @!p0 [sflag:s29], $0x2800  }
0x5d: {  	[sflag:s29] =	ssyncset.done @!p0 $0x0  }
0x5e: {  	[sflag:s29] =	ssyncadd.s32 @!p0 $0xFFFFD800  }
0x5f: {  	[spmem:s20] =	stream.linear.scatter @!p0 [tilespmem:s6], [sflag:$0x1], $0x2800, $0x38;
	[tilespmem:$0x1E080] =	vst v63  }
0x60: {  	_ =	swait.ge @!p0 [sflag:s29], $0x2800  }
0x61: {  	[sflag:s29] =	ssyncset.done @!p0 $0x0  }
0x62: {  	[sflag:s29] =	ssyncadd.s32 @!p0 $0xFFFFD800  }
0x63: {  	[spmem:s26] =	stream.linear.scatter @!p0 [tilespmem:s6], [sflag:$0x1], $0x2800, $0x38;
	[tilespmem:$0x1E080] =	vst v63  }
0x64: {  	_ =	swait.ge @!p0 [sflag:s29], $0x2800  }
0x65: {  	[sflag:s29] =	ssyncset.done @!p0 $0x0  }
0x66: {  	[sflag:s29] =	ssyncadd.s32 @!p0 $0xFFFFD800  }
0x67: {  	[spmem:s28] =	stream.linear.scatter @!p0 [tilespmem:s6], [sflag:$0x1], $0x2000, $0x38;
	[tilespmem:$0x1E080] =	vst v63  }
0x68: {  	_ =	swait.ge @!p0 [sflag:s29], $0x2000  }
0x69: {  	[sflag:s29] =	ssyncset.done @!p0 $0x0  }
0x6a: {  	[sflag:s29] =	ssyncadd.s32 @!p0 $0xFFFFE000  }
0x6b: {  	s8 =	simm.s32 $0x13880;
	s6 =	simm.s32 $0x0;
	[bflag:$0x0] =	sbarrier.arrive $0xFFFF  }
0x6c: {  	[tilespmem:s8], [sflag:$0x1] =	stream.linear.gather [hbm4b:s21+s6], $0x3E80, $0x38;
	[tilespmem:$0x1E080] =	vst v63  }
0x6d: {  	_ =	swait.ge [sflag:s30], $0x3E80  }
0x6e: {  	[sflag:s30] =	ssyncset.done $0x0  }
0x6f: {  	s31 =	simm.s32 $0x17880;
	[sflag:s30] =	ssyncadd.s32 $0xFFFFC180  }
0x70: {  	[tilespmem:s31], [sflag:$0x1] =	stream.linear.gather [hbm4b:s22+s6], $0x3E80, $0x38;
	[tilespmem:$0x1E080] =	vst v63  }
0x71: {  	_ =	swait.ge [sflag:s30], $0x3E80  }
0x72: {  	[sflag:s30] =	ssyncset.done $0x0  }
0x73: {  	s8 =	simm.s32 $0x17880;
	[sflag:s30] =	ssyncadd.s32 $0xFFFFC180  }
0x74: {  	[tilespmem:s5], [sflag:$0x1] =	stream.indirect.gather [hbm4b:s4+s0], $0x80, s8, s0, $0xb8;
	[tilespmem:$0x1E080] =	vst v63  }
0x75: {  	_ =	swait.ge [sflag:s30], $0x2800  }
0x76: {  	[sflag:s30] =	ssyncset.done $0x0  }
0x77: {  	s31 =	simm.s32 $0x13880;
	[sflag:s30] =	ssyncadd.s32 $0xFFFFD800  }
0x78: {  	[spmem:s2] =	stream.indirect.scatter.add.f32 [tilespmem:s5], [sflag:$0x1], $0x80, s31, s0, $0xb8;
	[tilespmem:$0x1E080] =	vst v63  }
0x79: {  	_ =	swait.ge [sflag:s30], $0x2800  }
0x7a: {  	s29 =	simm.s32 $0x400;
	s6 =	simm.s32 $0x80;
	[sflag:s30] =	ssyncset.done $0x0  }
.LBB2_4:
0x7b: {  	s31 =	sadd.s32 $0x17880, s6  }
0x7c: {  	[sflag:s30] =	ssyncadd.s32 $0xFFFFD800;
	s1 =	smov.u32 s29;
	s8 =	sadd.s32 $0x200, s29  }
0x7d: {  	[tilespmem:s5], [sflag:$0x1] =	stream.indirect.gather [hbm4b:s4+s0], $0x80, s31, s0, $0xb8;
	[tilespmem:$0x1E080] =	vst v63  }
0x7e: {  	p5 =	sne.s32 s29, $0xF800;
	_ =	swait.ge [sflag:s30], $0x2800  }
.Ltmp3:
0x7f: {  	[sflag:s30] =	ssyncset.done $0x0;
	(pc) =	sbr.rel @p5 .LBB2_4-.Ltmp3, $4  }
0x80: {  	s6 =	sadd.s32 $0x13880, s6;
	[sflag:s30] =	ssyncadd.s32 $0xFFFFD800  }
0x81: {  	[spmem:s2] =	stream.indirect.scatter.add.f32 [tilespmem:s5], [sflag:$0x1], $0x80, s6, s0, $0xb8;
	[tilespmem:$0x1E080] =	vst v63  }
0x82: {  	_ =	swait.ge [sflag:s30], $0x2800  }
0x83: {  	s29 =	smov.u32 s8;
	s6 =	sshra.s32 s1, $0x2;
	[sflag:s30] =	ssyncset.done $0x0  }
0x84: {  	s1 =	sadd.s32 $0x17880, s6;
	[sflag:s30] =	ssyncadd.s32 $0xFFFFD800  }
0x85: {  	[tilespmem:s5], [sflag:$0x1] =	stream.indirect.gather [hbm4b:s4+s0], $0x80, s1, s0, $0xb8;
	[tilespmem:$0x1E080] =	vst v63  }
0x86: {  	_ =	swait.ge [sflag:s30], $0x2800  }
0x87: {  	[sflag:s30] =	ssyncset.done $0x0  }
0x88: {  	s31 =	sadd.s32 $0x13880, s6;
	[sflag:s30] =	ssyncadd.s32 $0xFFFFD800  }
0x89: {  	[spmem:s2] =	stream.indirect.scatter.add.f32 [tilespmem:s5], [sflag:$0x1], $0x80, s31, s0, $0xb8;
	[tilespmem:$0x1E080] =	vst v63  }
0x8a: {  	s29 =	stileid.u32;
	_ =	swait.ge [sflag:s30], $0x2800  }
0x8b: {  	s6 =	sshrl.u32 @p1 s13, $0x3;
	p5 =	por @!p4 $0x1, $0x1;
	[sflag:s30] =	ssyncset.done $0x0  }
0x8c: {  	p6 =	por p2, p2;
	s1 =	sshll.u32 @p1 s29, $0x6;
	[sflag:s30] =	ssyncadd.s32 $0xFFFFD800  }
0x8d: {  	p6 =	por @!p4 p5, p5;
	s1 =	sor.u32 @p1 $0x1C01, s1;
	[bflag:$0x0] =	sbarrier.arrive $0xFFFF  }
0x8e: {  	[hbm:s23], [sflag:s1] =	dma.local @p1 [spmem:s6], $0x2700  }
0x8f: {  	p5 =	por @!p3 !p6, !p0;
	s1 =	simm.s32 @p1 $0x1  }
0x90: {  	p5 =	por @!p3 !p5, !p5;
	_ =	swait.ge @p1 [sflag:s1], $0x2700  }
0x91: {  	p5 =	por p3, p5;
	s6 =	sshll.u32 @!p4 s29, $0x6;
	[sflag:s1] =	ssyncset.done @p1 $0x0  }
0x92: {  	[sflag:s1] =	ssyncadd.s32 @p1 $0xFFFFD900;
	s1 =	sor.u32 @!p4 $0x1C01, s6;
	s6 =	sshrl.u32 @!p4 s13, $0x3  }
0x93: {  	[hbm:s24], [sflag:s1] =	dma.local @!p4 [spmem:s6], $0x2700  }
.Ltmp4:
0x94: {  	_ = 	snop;
	(pc) =	sbr.rel @!p5 .LBB2_7-.Ltmp4, $4  }
0x95: {  	s1 =	simm.s32 @!p4 $0x1  }
0x96: {  	_ =	swait.ge @!p4 [sflag:s1], $0x2700  }
0x97: {  	[sflag:s1] =	ssyncset.done @!p4 $0x0  }
0x98: {  	s8 =	stileid.u32;
	[sflag:s1] =	ssyncadd.s32 @!p4 $0xFFFFD900  }
0x99: {  	s1 =	rddreg [dreg:$0x4]  }
0x9a: {  	s6 =	rddreg [dreg:$0x3]  }
0x9b: {  	s31 =	sshrl.u32 s7, $0x3;
	s1 =	smov.u32 @p3 s6  }
.Ltmp5:
0x9c: {  	s29 =	simm.s32 $0x1FC1;
	s1 =	sadd.s32 $0x24900, s1;
	(pc) =	sbr.rel .LBB2_7-.Ltmp5, $4  }
0x9d: {  	[hbm:s1], [sflag:s29] =	dma.local [spmem:s31], $0x2800  }
0x9e: {  	_ =	swait.ge [sflag:s30], $0x2800  }
0x9f: {  	[sflag:s30] =	ssyncset.done $0x0  }
0xa0: {  	[sflag:s30] =	ssyncadd.s32 $0xFFFFD800  }
.LBB2_8:
0xa1: {  	_ =	sfence.sel $0x180000  }
0xa2: {  	[bflag:$0x0] =	sbarrier.arrive $0xFFFF  }
0xa3: {  	_ =	strace $0x90000047  }
0xa4: {  	[bflag:$0x2] =	sbarrier.arrive $0xFFFF  }
0xa5: {  	p0 =	sne.s32 s8, $0x0;
	s0 =	rddreg [dreg:$0x2]  }
0xa6: {  	s0 =	sadd.s32 @!p0 $0x100000, s0  }
0xa7: {  	[sflag:s0] =	ssyncadd.tile.s32 @!p0 $0x1;
	_ =	shalt  }
.Lfunc_end2:
_tile_overlayer_lowered:
.L_overlay_start_2:
0xa8: {  	(tag) =	ssettag $0x2  }
0xa9: {  	s0 =	rddreg [dreg:$0x0];
	s2 =	stileid.u32  }
0xaa: {  	s1 =	rddreg [dreg:$0x1];
	p0 =	sne.s32 s2, $0x0  }
0xab: {  	s3 =	rddreg [dreg:$0x2];
	[bflag:$0x3] =	sbarrier.arrive $0xFFFF;
	s2 =	simm.s32 @!p0 $0x1C01  }
0xac: {  	[timem:s3], [sflag:s2] =	dma.local @!p0 [hbm:s0], s1  }
0xad: {  	s0 =	simm.s32 @!p0 $0x1  }
0xae: {  	_ =	swait.ge @!p0 [sflag:s0], s1  }
0xaf: {  	s1 =	ssub.s32 @!p0 $0x0, s1;
	[sflag:s0] =	ssyncset.done @!p0 $0x0  }
0xb0: {  	[sflag:s0] =	ssyncadd.s32 @!p0 s1  }
0xb1: {  	[bflag:$0x3] =	sbarrier.arrive $0xFFFF  }
0xb2: {  	_ =	shalt  }

</sc_bundles>
